<compile_context>
chip_gen: v7x
topology: tpu7x:2x2x1
jax: 0.10.2.dev20260603
libtpu: 0.0.44.dev20260713+nightly
codegen_flags: <defaults>
</compile_context>

<pallas_src>
import functools

import jax
import jax.numpy as jnp
from jax import lax
from jax.experimental import pallas as pl
from jax.experimental.pallas import tpu as pltpu
from jax.experimental.pallas import tpu_sc as plsc

VOCAB = 1000000
EMBED_DIM = 32
BATCH = 4096
SEQ = 200

N = BATCH * SEQ
NC = 2
NS = 16
NW = NC * NS
PER_W = N // NW
CHUNK = 128
NCHUNK = PER_W // CHUNK
K = 8
NSUP = NCHUNK // K


def _emb_body(x_hbm, table_hbm, out_hbm, idx_v, rows_v, gsem, wsem):
    cid = lax.axis_index("c")
    sid = lax.axis_index("s")
    wid = sid * NC + cid
    base = wid * PER_W

    pltpu.sync_copy(x_hbm.at[wid], idx_v)

    def sup_body(s, carry):
        p = lax.rem(s, 2)
        sbase = base + s * (K * CHUNK)

        @pl.when(s >= 2)
        def _():
            for k in range(K):
                pltpu.make_async_copy(
                    rows_v.at[p, k],
                    out_hbm.at[pl.ds(sbase, CHUNK)],
                    wsem,
                ).wait()

        for k in range(K):
            pltpu.async_copy(
                table_hbm.at[idx_v.at[s * K + k]], rows_v.at[p, k], gsem
            )
        for k in range(K):
            pltpu.make_async_copy(
                table_hbm.at[idx_v.at[s * K + k]], rows_v.at[p, k], gsem
            ).wait()
        for k in range(K):
            pltpu.async_copy(
                rows_v.at[p, k],
                out_hbm.at[pl.ds(sbase + k * CHUNK, CHUNK)],
                wsem,
            )
        return carry

    lax.fori_loop(0, NSUP, sup_body, 0)

    for k in range(2 * K):
        pltpu.make_async_copy(
            rows_v.at[0, 0], out_hbm.at[pl.ds(base, CHUNK)], wsem
        ).wait()


@jax.jit
def kernel(x, table):
    x_i32 = x.reshape(NW, NCHUNK, CHUNK).astype(jnp.int32)
    mesh = plsc.VectorSubcoreMesh(core_axis_name="c", subcore_axis_name="s")
    f = functools.partial(
        pl.kernel,
        mesh=mesh,
        out_type=jax.ShapeDtypeStruct((N, EMBED_DIM), jnp.float32),
        scratch_types=[
            pltpu.VMEM((NCHUNK, CHUNK), jnp.int32),
            pltpu.VMEM((2, K, CHUNK, EMBED_DIM), jnp.float32),
            pltpu.SemaphoreType.DMA,
            pltpu.SemaphoreType.DMA,
        ],
        compiler_params=pltpu.CompilerParams(use_tc_tiling_on_sc=False),
    )(_emb_body)
    out = f(x_i32, table)
    return out.reshape(BATCH, SEQ, EMBED_DIM)

# --- scband reference (transcript-rebuilt; emitter-appended) ---
"""Pipeline reference for scband-token-and-position-embedding-56152402427971 (READ-ONLY COPY).

The authoritative reference and input builder live on the scoring server;
editing this copy changes nothing except your own understanding.
"""

import jax, jax.numpy as jnp
import numpy as np

VOCAB = 1000000
EMBED_DIM = 32
BATCH = 4096
SEQ = 200

def setup_inputs(seed: int = 0) -> dict:
    key = jax.random.key(seed)
    k_idx, k_tab = jax.random.split(key)
    x = jax.random.randint(k_idx, (BATCH, SEQ), 0, VOCAB, dtype=jnp.int64 if jax.config.jax_enable_x64 else jnp.int32)
    table = jax.random.normal(k_tab, (VOCAB, EMBED_DIM), dtype=jnp.float32) * 0.05
    return {"x": x, "table": table}

def reference(x, table):
    # TokenAndPositionEmbedding.call: only token embedding lookup
    return jnp.take(table, x, axis=0)

if __name__ == "__main__":
    import jax
    _d = setup_inputs()
    print(jax.jit(kernel)(*tuple(_d.values())))

</pallas_src>

<mosaic_0001>
#map = affine_map<(d0, d1) -> (0, 0, 0)>
#map1 = affine_map<(d0, d1) -> (0, 0)>
module attributes {stable_mosaic.version = 14 : i64} {
  func.func @_emb_body(%arg0: i32, %arg1: i32, %arg2: memref<32x200x128xi32, #tpu.memory_space<hbm>>, %arg3: memref<1000000x32xf32, #tpu.memory_space<hbm>>, %arg4: memref<819200x32xf32, #tpu.memory_space<hbm>>, %arg5: memref<200x128xi32, #tpu.memory_space<vmem>>, %arg6: memref<2x8x128x32xf32, #tpu.memory_space<vmem>>, %arg7: memref<!tpu.dma_semaphore, #tpu.memory_space<semaphore_mem>>, %arg8: memref<!tpu.dma_semaphore, #tpu.memory_space<semaphore_mem>>) attributes {dimension_semantics = [#tpu.dimension_semantics<core_parallel>, #tpu.dimension_semantics<subcore_parallel>], iteration_bounds = array<i64: 2, 16>, scalar_prefetch = 0 : i64, scratch_operands = 4 : i64, tpu.core_type = #tpu.core_type<sc_vector_subcore>, window_params = [{transform_indices = #map}, {transform_indices = #map1}, {transform_indices = #map1}]} {
    %mul3A = arith.constant 2 : i32
    %mul3A_0 = arith.muli %arg1, %mul3A : i32
    %add3A = arith.addi %mul3A_0, %arg0 : i32
    %mul3A_1 = arith.constant 25600 : i32
    %mul3A_2 = arith.muli %add3A, %mul3A_1 : i32
    "tpu.region"() ({
      %run_scoped3A = tpu.sem_alloc : memref<!tpu.dma_semaphore, #tpu.memory_space<semaphore_mem>>
      %dma_start3A = arith.constant 0 : i32
      %dma_start3A_231 = arith.constant 0 : i32
      %dma_start3A_232 = tpu.memref_slice %arg2[%add3A, %dma_start3A, %dma_start3A_231] : memref<32x200x128xi32, #tpu.memory_space<hbm>> -> memref<1x200x128xi32, #tpu.memory_space<hbm>>
      %dma_start3A_233 = tpu.memref_squeeze %dma_start3A_232 : memref<1x200x128xi32, #tpu.memory_space<hbm>> -> memref<200x128xi32, #tpu.memory_space<hbm>>
      %dma_start3A_234 = arith.constant 0 : i32
      %dma_start3A_235 = arith.constant 0 : i32
      %dma_start3A_236 = tpu.memref_slice %arg2[%add3A, %dma_start3A_234, %dma_start3A_235] : memref<32x200x128xi32, #tpu.memory_space<hbm>> -> memref<1x200x128xi32, #tpu.memory_space<hbm>>
      %dma_start3A_237 = tpu.memref_squeeze %dma_start3A_236 : memref<1x200x128xi32, #tpu.memory_space<hbm>> -> memref<200x128xi32, #tpu.memory_space<hbm>>
      tpu.enqueue_dma source(%dma_start3A_237 : memref<200x128xi32, #tpu.memory_space<hbm>>) target(%arg5 : memref<200x128xi32, #tpu.memory_space<vmem>>) target_semaphore(%run_scoped3A : memref<!tpu.dma_semaphore, #tpu.memory_space<semaphore_mem>>)
      %dma_wait3A_238 = arith.constant 0 : i32
      %dma_wait3A_239 = arith.constant 0 : i32
      %dma_wait3A_240 = tpu.memref_slice %arg2[%add3A, %dma_wait3A_238, %dma_wait3A_239] : memref<32x200x128xi32, #tpu.memory_space<hbm>> -> memref<1x200x128xi32, #tpu.memory_space<hbm>>
      %dma_wait3A_241 = tpu.memref_squeeze %dma_wait3A_240 : memref<1x200x128xi32, #tpu.memory_space<hbm>> -> memref<200x128xi32, #tpu.memory_space<hbm>>
      %dma_wait3A_242 = arith.constant 0 : i32
      %dma_wait3A_243 = arith.constant 0 : i32
      %dma_wait3A_244 = tpu.memref_slice %arg2[%add3A, %dma_wait3A_242, %dma_wait3A_243] : memref<32x200x128xi32, #tpu.memory_space<hbm>> -> memref<1x200x128xi32, #tpu.memory_space<hbm>>
      %dma_wait3A_245 = tpu.memref_squeeze %dma_wait3A_244 : memref<1x200x128xi32, #tpu.memory_space<hbm>> -> memref<200x128xi32, #tpu.memory_space<hbm>>
      tpu.wait_dma2 semaphore(%run_scoped3A : memref<!tpu.dma_semaphore, #tpu.memory_space<semaphore_mem>>) src(%dma_wait3A_245 : memref<200x128xi32, #tpu.memory_space<hbm>>) dst(%arg5 : memref<200x128xi32, #tpu.memory_space<vmem>>)
      tpu.yield
    }) : () -> ()
    %scan3A = arith.constant 0 : i32
    %scan3A_3 = arith.constant 0 : i32
    %scan3A_4 = arith.constant 25 : i32
    %scan3A_5 = arith.addi %scan3A_3, %scan3A_4 : i32
    %scan3A_6 = arith.constant 1 : i32
    scf.for %scan3A_231 = %scan3A_3 to %scan3A_5 step %scan3A_6  : i32 {
      %rem3A = arith.constant 2 : i32
      %rem3A_232 = arith.remsi %scan3A_231, %rem3A : i32
      %mul3A_233 = arith.constant 1024 : i32
      %mul3A_234 = arith.muli %scan3A_231, %mul3A_233 : i32
      %add3A_235 = arith.addi %mul3A_2, %mul3A_234 : i32
      %ge3A = arith.constant 2 : i32
      %ge3A_236 = arith.cmpi sge, %scan3A_231, %ge3A : i32
      %convert_element_type3A = arith.extui %ge3A_236 : i1 to i32
      %cond3A = arith.constant 0 : i32
      %cond3A_237 = arith.cmpi ne, %convert_element_type3A, %cond3A : i32
      scf.if %cond3A_237 {
        %dma_wait3A_597 = arith.constant 0 : i32
        %dma_wait3A_598 = arith.constant 0 : i32
        %dma_wait3A_599 = arith.constant 0 : i32
        %dma_wait3A_600 = tpu.memref_slice %arg6[%rem3A_232, %dma_wait3A_597, %dma_wait3A_598, %dma_wait3A_599] : memref<2x8x128x32xf32, #tpu.memory_space<vmem>> -> memref<1x1x128x32xf32, #tpu.memory_space<vmem>>
        %dma_wait3A_601 = tpu.memref_squeeze %dma_wait3A_600 : memref<1x1x128x32xf32, #tpu.memory_space<vmem>> -> memref<128x32xf32, #tpu.memory_space<vmem>>
        %dma_wait3A_602 = arith.constant 0 : i32
        %dma_wait3A_603 = tpu.memref_slice %arg4[%add3A_235, %dma_wait3A_602] : memref<819200x32xf32, #tpu.memory_space<hbm>> -> memref<128x32xf32, #tpu.memory_space<hbm>>
        %dma_wait3A_604 = arith.constant 0 : i32
        %dma_wait3A_605 = tpu.memref_slice %arg4[%add3A_235, %dma_wait3A_604] : memref<819200x32xf32, #tpu.memory_space<hbm>> -> memref<128x32xf32, #tpu.memory_space<hbm>>
        %dma_wait3A_606 = arith.constant 0 : i32
        %dma_wait3A_607 = arith.constant 0 : i32
        %dma_wait3A_608 = tpu.memref_slice %arg6[%rem3A_232, %dma_wait3A_597, %dma_wait3A_606, %dma_wait3A_607] : memref<2x8x128x32xf32, #tpu.memory_space<vmem>> -> memref<1x1x128x32xf32, #tpu.memory_space<vmem>>
        %dma_wait3A_609 = tpu.memref_squeeze %dma_wait3A_608 : memref<1x1x128x32xf32, #tpu.memory_space<vmem>> -> memref<128x32xf32, #tpu.memory_space<vmem>>
        tpu.wait_dma2 semaphore(%arg8 : memref<!tpu.dma_semaphore, #tpu.memory_space<semaphore_mem>>) src(%dma_wait3A_609 : memref<128x32xf32, #tpu.memory_space<vmem>>) dst(%dma_wait3A_605 : memref<128x32xf32, #tpu.memory_space<hbm>>)
        %dma_wait3A_610 = arith.constant 1 : i32
        %dma_wait3A_611 = arith.constant 0 : i32
        %dma_wait3A_612 = arith.constant 0 : i32
        %dma_wait3A_613 = tpu.memref_slice %arg6[%rem3A_232, %dma_wait3A_610, %dma_wait3A_611, %dma_wait3A_612] : memref<2x8x128x32xf32, #tpu.memory_space<vmem>> -> memref<1x1x128x32xf32, #tpu.memory_space<vmem>>
        %dma_wait3A_614 = tpu.memref_squeeze %dma_wait3A_613 : memref<1x1x128x32xf32, #tpu.memory_space<vmem>> -> memref<128x32xf32, #tpu.memory_space<vmem>>
        %dma_wait3A_615 = arith.constant 0 : i32
        %dma_wait3A_616 = tpu.memref_slice %arg4[%add3A_235, %dma_wait3A_615] : memref<819200x32xf32, #tpu.memory_space<hbm>> -> memref<128x32xf32, #tpu.memory_space<hbm>>
        %dma_wait3A_617 = arith.constant 0 : i32
        %dma_wait3A_618 = tpu.memref_slice %arg4[%add3A_235, %dma_wait3A_617] : memref<819200x32xf32, #tpu.memory_space<hbm>> -> memref<128x32xf32, #tpu.memory_space<hbm>>
        %dma_wait3A_619 = arith.constant 0 : i32
        %dma_wait3A_620 = arith.constant 0 : i32
        %dma_wait3A_621 = tpu.memref_slice %arg6[%rem3A_232, %dma_wait3A_610, %dma_wait3A_619, %dma_wait3A_620] : memref<2x8x128x32xf32, #tpu.memory_space<vmem>> -> memref<1x1x128x32xf32, #tpu.memory_space<vmem>>
        %dma_wait3A_622 = tpu.memref_squeeze %dma_wait3A_621 : memref<1x1x128x32xf32, #tpu.memory_space<vmem>> -> memref<128x32xf32, #tpu.memory_space<vmem>>
        tpu.wait_dma2 semaphore(%arg8 : memref<!tpu.dma_semaphore, #tpu.memory_space<semaphore_mem>>) src(%dma_wait3A_622 : memref<128x32xf32, #tpu.memory_space<vmem>>) dst(%dma_wait3A_618 : memref<128x32xf32, #tpu.memory_space<hbm>>)
        %dma_wait3A_623 = arith.constant 2 : i32
        %dma_wait3A_624 = arith.constant 0 : i32
        %dma_wait3A_625 = arith.constant 0 : i32
        %dma_wait3A_626 = tpu.memref_slice %arg6[%rem3A_232, %dma_wait3A_623, %dma_wait3A_624, %dma_wait3A_625] : memref<2x8x128x32xf32, #tpu.memory_space<vmem>> -> memref<1x1x128x32xf32, #tpu.memory_space<vmem>>
        %dma_wait3A_627 = tpu.memref_squeeze %dma_wait3A_626 : memref<1x1x128x32xf32, #tpu.memory_space<vmem>> -> memref<128x32xf32, #tpu.memory_space<vmem>>
        %dma_wait3A_628 = arith.constant 0 : i32
        %dma_wait3A_629 = tpu.memref_slice %arg4[%add3A_235, %dma_wait3A_628] : memref<819200x32xf32, #tpu.memory_space<hbm>> -> memref<128x32xf32, #tpu.memory_space<hbm>>
        %dma_wait3A_630 = arith.constant 0 : i32
        %dma_wait3A_631 = tpu.memref_slice %arg4[%add3A_235, %dma_wait3A_630] : memref<819200x32xf32, #tpu.memory_space<hbm>> -> memref<128x32xf32, #tpu.memory_space<hbm>>
        %dma_wait3A_632 = arith.constant 0 : i32
        %dma_wait3A_633 = arith.constant 0 : i32
        %dma_wait3A_634 = tpu.memref_slice %arg6[%rem3A_232, %dma_wait3A_623, %dma_wait3A_632, %dma_wait3A_633] : memref<2x8x128x32xf32, #tpu.memory_space<vmem>> -> memref<1x1x128x32xf32, #tpu.memory_space<vmem>>
        %dma_wait3A_635 = tpu.memref_squeeze %dma_wait3A_634 : memref<1x1x128x32xf32, #tpu.memory_space<vmem>> -> memref<128x32xf32, #tpu.memory_space<vmem>>
        tpu.wait_dma2 semaphore(%arg8 : memref<!tpu.dma_semaphore, #tpu.memory_space<semaphore_mem>>) src(%dma_wait3A_635 : memref<128x32xf32, #tpu.memory_space<vmem>>) dst(%dma_wait3A_631 : memref<128x32xf32, #tpu.memory_space<hbm>>)
        %dma_wait3A_636 = arith.constant 3 : i32
        %dma_wait3A_637 = arith.constant 0 : i32
        %dma_wait3A_638 = arith.constant 0 : i32
        %dma_wait3A_639 = tpu.memref_slice %arg6[%rem3A_232, %dma_wait3A_636, %dma_wait3A_637, %dma_wait3A_638] : memref<2x8x128x32xf32, #tpu.memory_space<vmem>> -> memref<1x1x128x32xf32, #tpu.memory_space<vmem>>
        %dma_wait3A_640 = tpu.memref_squeeze %dma_wait3A_639 : memref<1x1x128x32xf32, #tpu.memory_space<vmem>> -> memref<128x32xf32, #tpu.memory_space<vmem>>
        %dma_wait3A_641 = arith.constant 0 : i32
        %dma_wait3A_642 = tpu.memref_slice %arg4[%add3A_235, %dma_wait3A_641] : memref<819200x32xf32, #tpu.memory_space<hbm>> -> memref<128x32xf32, #tpu.memory_space<hbm>>
        %dma_wait3A_643 = arith.constant 0 : i32
        %dma_wait3A_644 = tpu.memref_slice %arg4[%add3A_235, %dma_wait3A_643] : memref<819200x32xf32, #tpu.memory_space<hbm>> -> memref<128x32xf32, #tpu.memory_space<hbm>>
        %dma_wait3A_645 = arith.constant 0 : i32
        %dma_wait3A_646 = arith.constant 0 : i32
        %dma_wait3A_647 = tpu.memref_slice %arg6[%rem3A_232, %dma_wait3A_636, %dma_wait3A_645, %dma_wait3A_646] : memref<2x8x128x32xf32, #tpu.memory_space<vmem>> -> memref<1x1x128x32xf32, #tpu.memory_space<vmem>>
        %dma_wait3A_648 = tpu.memref_squeeze %dma_wait3A_647 : memref<1x1x128x32xf32, #tpu.memory_space<vmem>> -> memref<128x32xf32, #tpu.memory_space<vmem>>
        tpu.wait_dma2 semaphore(%arg8 : memref<!tpu.dma_semaphore, #tpu.memory_space<semaphore_mem>>) src(%dma_wait3A_648 : memref<128x32xf32, #tpu.memory_space<vmem>>) dst(%dma_wait3A_644 : memref<128x32xf32, #tpu.memory_space<hbm>>)
        %dma_wait3A_649 = arith.constant 4 : i32
        %dma_wait3A_650 = arith.constant 0 : i32
        %dma_wait3A_651 = arith.constant 0 : i32
        %dma_wait3A_652 = tpu.memref_slice %arg6[%rem3A_232, %dma_wait3A_649, %dma_wait3A_650, %dma_wait3A_651] : memref<2x8x128x32xf32, #tpu.memory_space<vmem>> -> memref<1x1x128x32xf32, #tpu.memory_space<vmem>>
        %dma_wait3A_653 = tpu.memref_squeeze %dma_wait3A_652 : memref<1x1x128x32xf32, #tpu.memory_space<vmem>> -> memref<128x32xf32, #tpu.memory_space<vmem>>
        %dma_wait3A_654 = arith.constant 0 : i32
        %dma_wait3A_655 = tpu.memref_slice %arg4[%add3A_235, %dma_wait3A_654] : memref<819200x32xf32, #tpu.memory_space<hbm>> -> memref<128x32xf32, #tpu.memory_space<hbm>>
        %dma_wait3A_656 = arith.constant 0 : i32
        %dma_wait3A_657 = tpu.memref_slice %arg4[%add3A_235, %dma_wait3A_656] : memref<819200x32xf32, #tpu.memory_space<hbm>> -> memref<128x32xf32, #tpu.memory_space<hbm>>
        %dma_wait3A_658 = arith.constant 0 : i32
        %dma_wait3A_659 = arith.constant 0 : i32
        %dma_wait3A_660 = tpu.memref_slice %arg6[%rem3A_232, %dma_wait3A_649, %dma_wait3A_658, %dma_wait3A_659] : memref<2x8x128x32xf32, #tpu.memory_space<vmem>> -> memref<1x1x128x32xf32, #tpu.memory_space<vmem>>
        %dma_wait3A_661 = tpu.memref_squeeze %dma_wait3A_660 : memref<1x1x128x32xf32, #tpu.memory_space<vmem>> -> memref<128x32xf32, #tpu.memory_space<vmem>>
        tpu.wait_dma2 semaphore(%arg8 : memref<!tpu.dma_semaphore, #tpu.memory_space<semaphore_mem>>) src(%dma_wait3A_661 : memref<128x32xf32, #tpu.memory_space<vmem>>) dst(%dma_wait3A_657 : memref<128x32xf32, #tpu.memory_space<hbm>>)
        %dma_wait3A_662 = arith.constant 5 : i32
        %dma_wait3A_663 = arith.constant 0 : i32
        %dma_wait3A_664 = arith.constant 0 : i32
        %dma_wait3A_665 = tpu.memref_slice %arg6[%rem3A_232, %dma_wait3A_662, %dma_wait3A_663, %dma_wait3A_664] : memref<2x8x128x32xf32, #tpu.memory_space<vmem>> -> memref<1x1x128x32xf32, #tpu.memory_space<vmem>>
        %dma_wait3A_666 = tpu.memref_squeeze %dma_wait3A_665 : memref<1x1x128x32xf32, #tpu.memory_space<vmem>> -> memref<128x32xf32, #tpu.memory_space<vmem>>
        %dma_wait3A_667 = arith.constant 0 : i32
        %dma_wait3A_668 = tpu.memref_slice %arg4[%add3A_235, %dma_wait3A_667] : memref<819200x32xf32, #tpu.memory_space<hbm>> -> memref<128x32xf32, #tpu.memory_space<hbm>>
        %dma_wait3A_669 = arith.constant 0 : i32
        %dma_wait3A_670 = tpu.memref_slice %arg4[%add3A_235, %dma_wait3A_669] : memref<819200x32xf32, #tpu.memory_space<hbm>> -> memref<128x32xf32, #tpu.memory_space<hbm>>
        %dma_wait3A_671 = arith.constant 0 : i32
        %dma_wait3A_672 = arith.constant 0 : i32
        %dma_wait3A_673 = tpu.memref_slice %arg6[%rem3A_232, %dma_wait3A_662, %dma_wait3A_671, %dma_wait3A_672] : memref<2x8x128x32xf32, #tpu.memory_space<vmem>> -> memref<1x1x128x32xf32, #tpu.memory_space<vmem>>
        %dma_wait3A_674 = tpu.memref_squeeze %dma_wait3A_673 : memref<1x1x128x32xf32, #tpu.memory_space<vmem>> -> memref<128x32xf32, #tpu.memory_space<vmem>>
        tpu.wait_dma2 semaphore(%arg8 : memref<!tpu.dma_semaphore, #tpu.memory_space<semaphore_mem>>) src(%dma_wait3A_674 : memref<128x32xf32, #tpu.memory_space<vmem>>) dst(%dma_wait3A_670 : memref<128x32xf32, #tpu.memory_space<hbm>>)
        %dma_wait3A_675 = arith.constant 6 : i32
        %dma_wait3A_676 = arith.constant 0 : i32
        %dma_wait3A_677 = arith.constant 0 : i32
        %dma_wait3A_678 = tpu.memref_slice %arg6[%rem3A_232, %dma_wait3A_675, %dma_wait3A_676, %dma_wait3A_677] : memref<2x8x128x32xf32, #tpu.memory_space<vmem>> -> memref<1x1x128x32xf32, #tpu.memory_space<vmem>>
        %dma_wait3A_679 = tpu.memref_squeeze %dma_wait3A_678 : memref<1x1x128x32xf32, #tpu.memory_space<vmem>> -> memref<128x32xf32, #tpu.memory_space<vmem>>
        %dma_wait3A_680 = arith.constant 0 : i32
        %dma_wait3A_681 = tpu.memref_slice %arg4[%add3A_235, %dma_wait3A_680] : memref<819200x32xf32, #tpu.memory_space<hbm>> -> memref<128x32xf32, #tpu.memory_space<hbm>>
        %dma_wait3A_682 = arith.constant 0 : i32
        %dma_wait3A_683 = tpu.memref_slice %arg4[%add3A_235, %dma_wait3A_682] : memref<819200x32xf32, #tpu.memory_space<hbm>> -> memref<128x32xf32, #tpu.memory_space<hbm>>
        %dma_wait3A_684 = arith.constant 0 : i32
        %dma_wait3A_685 = arith.constant 0 : i32
        %dma_wait3A_686 = tpu.memref_slice %arg6[%rem3A_232, %dma_wait3A_675, %dma_wait3A_684, %dma_wait3A_685] : memref<2x8x128x32xf32, #tpu.memory_space<vmem>> -> memref<1x1x128x32xf32, #tpu.memory_space<vmem>>
        %dma_wait3A_687 = tpu.memref_squeeze %dma_wait3A_686 : memref<1x1x128x32xf32, #tpu.memory_space<vmem>> -> memref<128x32xf32, #tpu.memory_space<vmem>>
        tpu.wait_dma2 semaphore(%arg8 : memref<!tpu.dma_semaphore, #tpu.memory_space<semaphore_mem>>) src(%dma_wait3A_687 : memref<128x32xf32, #tpu.memory_space<vmem>>) dst(%dma_wait3A_683 : memref<128x32xf32, #tpu.memory_space<hbm>>)
        %dma_wait3A_688 = arith.constant 7 : i32
        %dma_wait3A_689 = arith.constant 0 : i32
        %dma_wait3A_690 = arith.constant 0 : i32
        %dma_wait3A_691 = tpu.memref_slice %arg6[%rem3A_232, %dma_wait3A_688, %dma_wait3A_689, %dma_wait3A_690] : memref<2x8x128x32xf32, #tpu.memory_space<vmem>> -> memref<1x1x128x32xf32, #tpu.memory_space<vmem>>
        %dma_wait3A_692 = tpu.memref_squeeze %dma_wait3A_691 : memref<1x1x128x32xf32, #tpu.memory_space<vmem>> -> memref<128x32xf32, #tpu.memory_space<vmem>>
        %dma_wait3A_693 = arith.constant 0 : i32
        %dma_wait3A_694 = tpu.memref_slice %arg4[%add3A_235, %dma_wait3A_693] : memref<819200x32xf32, #tpu.memory_space<hbm>> -> memref<128x32xf32, #tpu.memory_space<hbm>>
        %dma_wait3A_695 = arith.constant 0 : i32
        %dma_wait3A_696 = tpu.memref_slice %arg4[%add3A_235, %dma_wait3A_695] : memref<819200x32xf32, #tpu.memory_space<hbm>> -> memref<128x32xf32, #tpu.memory_space<hbm>>
        %dma_wait3A_697 = arith.constant 0 : i32
        %dma_wait3A_698 = arith.constant 0 : i32
        %dma_wait3A_699 = tpu.memref_slice %arg6[%rem3A_232, %dma_wait3A_688, %dma_wait3A_697, %dma_wait3A_698] : memref<2x8x128x32xf32, #tpu.memory_space<vmem>> -> memref<1x1x128x32xf32, #tpu.memory_space<vmem>>
        %dma_wait3A_700 = tpu.memref_squeeze %dma_wait3A_699 : memref<1x1x128x32xf32, #tpu.memory_space<vmem>> -> memref<128x32xf32, #tpu.memory_space<vmem>>
        tpu.wait_dma2 semaphore(%arg8 : memref<!tpu.dma_semaphore, #tpu.memory_space<semaphore_mem>>) src(%dma_wait3A_700 : memref<128x32xf32, #tpu.memory_space<vmem>>) dst(%dma_wait3A_696 : memref<128x32xf32, #tpu.memory_space<hbm>>)
      } else {
      }
      %mul3A_238 = arith.constant 8 : i32
      %mul3A_239 = arith.muli %scan3A_231, %mul3A_238 : i32
      %add3A_240 = arith.constant 0 : i32
      %add3A_241 = arith.addi %mul3A_239, %add3A_240 : i32
      %dma_start3A = arith.constant 0 : i32
      %dma_start3A_242 = arith.constant 0 : i32
      %dma_start3A_243 = arith.constant 0 : i32
      %dma_start3A_244 = tpu.memref_slice %arg6[%rem3A_232, %dma_start3A, %dma_start3A_242, %dma_start3A_243] : memref<2x8x128x32xf32, #tpu.memory_space<vmem>> -> memref<1x1x128x32xf32, #tpu.memory_space<vmem>>
      %dma_start3A_245 = tpu.memref_squeeze %dma_start3A_244 : memref<1x1x128x32xf32, #tpu.memory_space<vmem>> -> memref<128x32xf32, #tpu.memory_space<vmem>>
      %dma_start3A_246 = arith.constant 0 : i32
      %dma_start3A_247 = tpu.memref_slice %arg5[%add3A_241, %dma_start3A_246] : memref<200x128xi32, #tpu.memory_space<vmem>> -> memref<1x128xi32, #tpu.memory_space<vmem>>
      %dma_start3A_248 = tpu.memref_squeeze %dma_start3A_247 : memref<1x128xi32, #tpu.memory_space<vmem>> -> memref<128xi32, #tpu.memory_space<vmem>>
      %dma_start3A_249 = arith.constant 0 : i32
      %dma_start3A_250 = arith.constant 0 : i32
      %dma_start3A_251 = tpu.memref_slice %arg3[%dma_start3A_249, %dma_start3A_250] : memref<1000000x32xf32, #tpu.memory_space<hbm>> -> memref<1000000x32xf32, #tpu.memory_space<hbm>>
      tpu.enqueue_indirect_dma source(%dma_start3A_251 : memref<1000000x32xf32, #tpu.memory_space<hbm>>) target(%dma_start3A_245 : memref<128x32xf32, #tpu.memory_space<vmem>>) offsets(%dma_start3A_248 : memref<128xi32, #tpu.memory_space<vmem>>) semaphore(%arg7 : memref<!tpu.dma_semaphore, #tpu.memory_space<semaphore_mem>>)
      %mul3A_252 = arith.constant 8 : i32
      %mul3A_253 = arith.muli %scan3A_231, %mul3A_252 : i32
      %add3A_254 = arith.constant 1 : i32
      %add3A_255 = arith.addi %mul3A_253, %add3A_254 : i32
      %dma_start3A_256 = arith.constant 1 : i32
      %dma_start3A_257 = arith.constant 0 : i32
      %dma_start3A_258 = arith.constant 0 : i32
      %dma_start3A_259 = tpu.memref_slice %arg6[%rem3A_232, %dma_start3A_256, %dma_start3A_257, %dma_start3A_258] : memref<2x8x128x32xf32, #tpu.memory_space<vmem>> -> memref<1x1x128x32xf32, #tpu.memory_space<vmem>>
      %dma_start3A_260 = tpu.memref_squeeze %dma_start3A_259 : memref<1x1x128x32xf32, #tpu.memory_space<vmem>> -> memref<128x32xf32, #tpu.memory_space<vmem>>
      %dma_start3A_261 = arith.constant 0 : i32
      %dma_start3A_262 = tpu.memref_slice %arg5[%add3A_255, %dma_start3A_261] : memref<200x128xi32, #tpu.memory_space<vmem>> -> memref<1x128xi32, #tpu.memory_space<vmem>>
      %dma_start3A_263 = tpu.memref_squeeze %dma_start3A_262 : memref<1x128xi32, #tpu.memory_space<vmem>> -> memref<128xi32, #tpu.memory_space<vmem>>
      %dma_start3A_264 = arith.constant 0 : i32
      %dma_start3A_265 = arith.constant 0 : i32
      %dma_start3A_266 = tpu.memref_slice %arg3[%dma_start3A_264, %dma_start3A_265] : memref<1000000x32xf32, #tpu.memory_space<hbm>> -> memref<1000000x32xf32, #tpu.memory_space<hbm>>
      tpu.enqueue_indirect_dma source(%dma_start3A_266 : memref<1000000x32xf32, #tpu.memory_space<hbm>>) target(%dma_start3A_260 : memref<128x32xf32, #tpu.memory_space<vmem>>) offsets(%dma_start3A_263 : memref<128xi32, #tpu.memory_space<vmem>>) semaphore(%arg7 : memref<!tpu.dma_semaphore, #tpu.memory_space<semaphore_mem>>)
      %mul3A_267 = arith.constant 8 : i32
      %mul3A_268 = arith.muli %scan3A_231, %mul3A_267 : i32
      %add3A_269 = arith.constant 2 : i32
      %add3A_270 = arith.addi %mul3A_268, %add3A_269 : i32
      %dma_start3A_271 = arith.constant 2 : i32
      %dma_start3A_272 = arith.constant 0 : i32
      %dma_start3A_273 = arith.constant 0 : i32
      %dma_start3A_274 = tpu.memref_slice %arg6[%rem3A_232, %dma_start3A_271, %dma_start3A_272, %dma_start3A_273] : memref<2x8x128x32xf32, #tpu.memory_space<vmem>> -> memref<1x1x128x32xf32, #tpu.memory_space<vmem>>
      %dma_start3A_275 = tpu.memref_squeeze %dma_start3A_274 : memref<1x1x128x32xf32, #tpu.memory_space<vmem>> -> memref<128x32xf32, #tpu.memory_space<vmem>>
      %dma_start3A_276 = arith.constant 0 : i32
      %dma_start3A_277 = tpu.memref_slice %arg5[%add3A_270, %dma_start3A_276] : memref<200x128xi32, #tpu.memory_space<vmem>> -> memref<1x128xi32, #tpu.memory_space<vmem>>
      %dma_start3A_278 = tpu.memref_squeeze %dma_start3A_277 : memref<1x128xi32, #tpu.memory_space<vmem>> -> memref<128xi32, #tpu.memory_space<vmem>>
      %dma_start3A_279 = arith.constant 0 : i32
      %dma_start3A_280 = arith.constant 0 : i32
      %dma_start3A_281 = tpu.memref_slice %arg3[%dma_start3A_279, %dma_start3A_280] : memref<1000000x32xf32, #tpu.memory_space<hbm>> -> memref<1000000x32xf32, #tpu.memory_space<hbm>>
      tpu.enqueue_indirect_dma source(%dma_start3A_281 : memref<1000000x32xf32, #tpu.memory_space<hbm>>) target(%dma_start3A_275 : memref<128x32xf32, #tpu.memory_space<vmem>>) offsets(%dma_start3A_278 : memref<128xi32, #tpu.memory_space<vmem>>) semaphore(%arg7 : memref<!tpu.dma_semaphore, #tpu.memory_space<semaphore_mem>>)
      %mul3A_282 = arith.constant 8 : i32
      %mul3A_283 = arith.muli %scan3A_231, %mul3A_282 : i32
      %add3A_284 = arith.constant 3 : i32
      %add3A_285 = arith.addi %mul3A_283, %add3A_284 : i32
      %dma_start3A_286 = arith.constant 3 : i32
      %dma_start3A_287 = arith.constant 0 : i32
      %dma_start3A_288 = arith.constant 0 : i32
      %dma_start3A_289 = tpu.memref_slice %arg6[%rem3A_232, %dma_start3A_286, %dma_start3A_287, %dma_start3A_288] : memref<2x8x128x32xf32, #tpu.memory_space<vmem>> -> memref<1x1x128x32xf32, #tpu.memory_space<vmem>>
      %dma_start3A_290 = tpu.memref_squeeze %dma_start3A_289 : memref<1x1x128x32xf32, #tpu.memory_space<vmem>> -> memref<128x32xf32, #tpu.memory_space<vmem>>
      %dma_start3A_291 = arith.constant 0 : i32
      %dma_start3A_292 = tpu.memref_slice %arg5[%add3A_285, %dma_start3A_291] : memref<200x128xi32, #tpu.memory_space<vmem>> -> memref<1x128xi32, #tpu.memory_space<vmem>>
      %dma_start3A_293 = tpu.memref_squeeze %dma_start3A_292 : memref<1x128xi32, #tpu.memory_space<vmem>> -> memref<128xi32, #tpu.memory_space<vmem>>
      %dma_start3A_294 = arith.constant 0 : i32
      %dma_start3A_295 = arith.constant 0 : i32
      %dma_start3A_296 = tpu.memref_slice %arg3[%dma_start3A_294, %dma_start3A_295] : memref<1000000x32xf32, #tpu.memory_space<hbm>> -> memref<1000000x32xf32, #tpu.memory_space<hbm>>
      tpu.enqueue_indirect_dma source(%dma_start3A_296 : memref<1000000x32xf32, #tpu.memory_space<hbm>>) target(%dma_start3A_290 : memref<128x32xf32, #tpu.memory_space<vmem>>) offsets(%dma_start3A_293 : memref<128xi32, #tpu.memory_space<vmem>>) semaphore(%arg7 : memref<!tpu.dma_semaphore, #tpu.memory_space<semaphore_mem>>)
      %mul3A_297 = arith.constant 8 : i32
      %mul3A_298 = arith.muli %scan3A_231, %mul3A_297 : i32
      %add3A_299 = arith.constant 4 : i32
      %add3A_300 = arith.addi %mul3A_298, %add3A_299 : i32
      %dma_start3A_301 = arith.constant 4 : i32
      %dma_start3A_302 = arith.constant 0 : i32
      %dma_start3A_303 = arith.constant 0 : i32
      %dma_start3A_304 = tpu.memref_slice %arg6[%rem3A_232, %dma_start3A_301, %dma_start3A_302, %dma_start3A_303] : memref<2x8x128x32xf32, #tpu.memory_space<vmem>> -> memref<1x1x128x32xf32, #tpu.memory_space<vmem>>
      %dma_start3A_305 = tpu.memref_squeeze %dma_start3A_304 : memref<1x1x128x32xf32, #tpu.memory_space<vmem>> -> memref<128x32xf32, #tpu.memory_space<vmem>>
      %dma_start3A_306 = arith.constant 0 : i32
      %dma_start3A_307 = tpu.memref_slice %arg5[%add3A_300, %dma_start3A_306] : memref<200x128xi32, #tpu.memory_space<vmem>> -> memref<1x128xi32, #tpu.memory_space<vmem>>
      %dma_start3A_308 = tpu.memref_squeeze %dma_start3A_307 : memref<1x128xi32, #tpu.memory_space<vmem>> -> memref<128xi32, #tpu.memory_space<vmem>>
      %dma_start3A_309 = arith.constant 0 : i32
      %dma_start3A_310 = arith.constant 0 : i32
      %dma_start3A_311 = tpu.memref_slice %arg3[%dma_start3A_309, %dma_start3A_310] : memref<1000000x32xf32, #tpu.memory_space<hbm>> -> memref<1000000x32xf32, #tpu.memory_space<hbm>>
      tpu.enqueue_indirect_dma source(%dma_start3A_311 : memref<1000000x32xf32, #tpu.memory_space<hbm>>) target(%dma_start3A_305 : memref<128x32xf32, #tpu.memory_space<vmem>>) offsets(%dma_start3A_308 : memref<128xi32, #tpu.memory_space<vmem>>) semaphore(%arg7 : memref<!tpu.dma_semaphore, #tpu.memory_space<semaphore_mem>>)
      %mul3A_312 = arith.constant 8 : i32
      %mul3A_313 = arith.muli %scan3A_231, %mul3A_312 : i32
      %add3A_314 = arith.constant 5 : i32
      %add3A_315 = arith.addi %mul3A_313, %add3A_314 : i32
      %dma_start3A_316 = arith.constant 5 : i32
      %dma_start3A_317 = arith.constant 0 : i32
      %dma_start3A_318 = arith.constant 0 : i32
      %dma_start3A_319 = tpu.memref_slice %arg6[%rem3A_232, %dma_start3A_316, %dma_start3A_317, %dma_start3A_318] : memref<2x8x128x32xf32, #tpu.memory_space<vmem>> -> memref<1x1x128x32xf32, #tpu.memory_space<vmem>>
      %dma_start3A_320 = tpu.memref_squeeze %dma_start3A_319 : memref<1x1x128x32xf32, #tpu.memory_space<vmem>> -> memref<128x32xf32, #tpu.memory_space<vmem>>
      %dma_start3A_321 = arith.constant 0 : i32
      %dma_start3A_322 = tpu.memref_slice %arg5[%add3A_315, %dma_start3A_321] : memref<200x128xi32, #tpu.memory_space<vmem>> -> memref<1x128xi32, #tpu.memory_space<vmem>>
      %dma_start3A_323 = tpu.memref_squeeze %dma_start3A_322 : memref<1x128xi32, #tpu.memory_space<vmem>> -> memref<128xi32, #tpu.memory_space<vmem>>
      %dma_start3A_324 = arith.constant 0 : i32
      %dma_start3A_325 = arith.constant 0 : i32
      %dma_start3A_326 = tpu.memref_slice %arg3[%dma_start3A_324, %dma_start3A_325] : memref<1000000x32xf32, #tpu.memory_space<hbm>> -> memref<1000000x32xf32, #tpu.memory_space<hbm>>
      tpu.enqueue_indirect_dma source(%dma_start3A_326 : memref<1000000x32xf32, #tpu.memory_space<hbm>>) target(%dma_start3A_320 : memref<128x32xf32, #tpu.memory_space<vmem>>) offsets(%dma_start3A_323 : memref<128xi32, #tpu.memory_space<vmem>>) semaphore(%arg7 : memref<!tpu.dma_semaphore, #tpu.memory_space<semaphore_mem>>)
      %mul3A_327 = arith.constant 8 : i32
      %mul3A_328 = arith.muli %scan3A_231, %mul3A_327 : i32
      %add3A_329 = arith.constant 6 : i32
      %add3A_330 = arith.addi %mul3A_328, %add3A_329 : i32
      %dma_start3A_331 = arith.constant 6 : i32
      %dma_start3A_332 = arith.constant 0 : i32
      %dma_start3A_333 = arith.constant 0 : i32
      %dma_start3A_334 = tpu.memref_slice %arg6[%rem3A_232, %dma_start3A_331, %dma_start3A_332, %dma_start3A_333] : memref<2x8x128x32xf32, #tpu.memory_space<vmem>> -> memref<1x1x128x32xf32, #tpu.memory_space<vmem>>
      %dma_start3A_335 = tpu.memref_squeeze %dma_start3A_334 : memref<1x1x128x32xf32, #tpu.memory_space<vmem>> -> memref<128x32xf32, #tpu.memory_space<vmem>>
      %dma_start3A_336 = arith.constant 0 : i32
      %dma_start3A_337 = tpu.memref_slice %arg5[%add3A_330, %dma_start3A_336] : memref<200x128xi32, #tpu.memory_space<vmem>> -> memref<1x128xi32, #tpu.memory_space<vmem>>
      %dma_start3A_338 = tpu.memref_squeeze %dma_start3A_337 : memref<1x128xi32, #tpu.memory_space<vmem>> -> memref<128xi32, #tpu.memory_space<vmem>>
      %dma_start3A_339 = arith.constant 0 : i32
      %dma_start3A_340 = arith.constant 0 : i32
      %dma_start3A_341 = tpu.memref_slice %arg3[%dma_start3A_339, %dma_start3A_340] : memref<1000000x32xf32, #tpu.memory_space<hbm>> -> memref<1000000x32xf32, #tpu.memory_space<hbm>>
      tpu.enqueue_indirect_dma source(%dma_start3A_341 : memref<1000000x32xf32, #tpu.memory_space<hbm>>) target(%dma_start3A_335 : memref<128x32xf32, #tpu.memory_space<vmem>>) offsets(%dma_start3A_338 : memref<128xi32, #tpu.memory_space<vmem>>) semaphore(%arg7 : memref<!tpu.dma_semaphore, #tpu.memory_space<semaphore_mem>>)
      %mul3A_342 = arith.constant 8 : i32
      %mul3A_343 = arith.muli %scan3A_231, %mul3A_342 : i32
      %add3A_344 = arith.constant 7 : i32
      %add3A_345 = arith.addi %mul3A_343, %add3A_344 : i32
      %dma_start3A_346 = arith.constant 7 : i32
      %dma_start3A_347 = arith.constant 0 : i32
      %dma_start3A_348 = arith.constant 0 : i32
      %dma_start3A_349 = tpu.memref_slice %arg6[%rem3A_232, %dma_start3A_346, %dma_start3A_347, %dma_start3A_348] : memref<2x8x128x32xf32, #tpu.memory_space<vmem>> -> memref<1x1x128x32xf32, #tpu.memory_space<vmem>>
      %dma_start3A_350 = tpu.memref_squeeze %dma_start3A_349 : memref<1x1x128x32xf32, #tpu.memory_space<vmem>> -> memref<128x32xf32, #tpu.memory_space<vmem>>
      %dma_start3A_351 = arith.constant 0 : i32
      %dma_start3A_352 = tpu.memref_slice %arg5[%add3A_345, %dma_start3A_351] : memref<200x128xi32, #tpu.memory_space<vmem>> -> memref<1x128xi32, #tpu.memory_space<vmem>>
      %dma_start3A_353 = tpu.memref_squeeze %dma_start3A_352 : memref<1x128xi32, #tpu.memory_space<vmem>> -> memref<128xi32, #tpu.memory_space<vmem>>
      %dma_start3A_354 = arith.constant 0 : i32
      %dma_start3A_355 = arith.constant 0 : i32
      %dma_start3A_356 = tpu.memref_slice %arg3[%dma_start3A_354, %dma_start3A_355] : memref<1000000x32xf32, #tpu.memory_space<hbm>> -> memref<1000000x32xf32, #tpu.memory_space<hbm>>
      tpu.enqueue_indirect_dma source(%dma_start3A_356 : memref<1000000x32xf32, #tpu.memory_space<hbm>>) target(%dma_start3A_350 : memref<128x32xf32, #tpu.memory_space<vmem>>) offsets(%dma_start3A_353 : memref<128xi32, #tpu.memory_space<vmem>>) semaphore(%arg7 : memref<!tpu.dma_semaphore, #tpu.memory_space<semaphore_mem>>)
      %mul3A_357 = arith.constant 8 : i32
      %mul3A_358 = arith.muli %scan3A_231, %mul3A_357 : i32
      %add3A_359 = arith.constant 0 : i32
      %add3A_360 = arith.addi %mul3A_358, %add3A_359 : i32
      %dma_wait3A_361 = arith.constant 0 : i32
      %dma_wait3A_362 = arith.constant 0 : i32
      %dma_wait3A_363 = arith.constant 0 : i32
      %dma_wait3A_364 = tpu.memref_slice %arg6[%rem3A_232, %dma_wait3A_361, %dma_wait3A_362, %dma_wait3A_363] : memref<2x8x128x32xf32, #tpu.memory_space<vmem>> -> memref<1x1x128x32xf32, #tpu.memory_space<vmem>>
      %dma_wait3A_365 = tpu.memref_squeeze %dma_wait3A_364 : memref<1x1x128x32xf32, #tpu.memory_space<vmem>> -> memref<128x32xf32, #tpu.memory_space<vmem>>
      %dma_wait3A_366 = arith.constant 0 : i32
      %dma_wait3A_367 = tpu.memref_slice %arg5[%add3A_360, %dma_wait3A_366] : memref<200x128xi32, #tpu.memory_space<vmem>> -> memref<1x128xi32, #tpu.memory_space<vmem>>
      %dma_wait3A_368 = tpu.memref_squeeze %dma_wait3A_367 : memref<1x128xi32, #tpu.memory_space<vmem>> -> memref<128xi32, #tpu.memory_space<vmem>>
      %dma_wait3A_369 = arith.constant 0 : i32
      %dma_wait3A_370 = arith.constant 0 : i32
      %dma_wait3A_371 = tpu.memref_slice %arg3[%dma_wait3A_369, %dma_wait3A_370] : memref<1000000x32xf32, #tpu.memory_space<hbm>> -> memref<1000000x32xf32, #tpu.memory_space<hbm>>
      tpu.wait_indirect_dma semaphore(%arg7 : memref<!tpu.dma_semaphore, #tpu.memory_space<semaphore_mem>>) src(%dma_wait3A_371 : memref<1000000x32xf32, #tpu.memory_space<hbm>>) dst(%dma_wait3A_365 : memref<128x32xf32, #tpu.memory_space<vmem>>)
      %mul3A_372 = arith.constant 8 : i32
      %mul3A_373 = arith.muli %scan3A_231, %mul3A_372 : i32
      %add3A_374 = arith.constant 1 : i32
      %add3A_375 = arith.addi %mul3A_373, %add3A_374 : i32
      %dma_wait3A_376 = arith.constant 1 : i32
      %dma_wait3A_377 = arith.constant 0 : i32
      %dma_wait3A_378 = arith.constant 0 : i32
      %dma_wait3A_379 = tpu.memref_slice %arg6[%rem3A_232, %dma_wait3A_376, %dma_wait3A_377, %dma_wait3A_378] : memref<2x8x128x32xf32, #tpu.memory_space<vmem>> -> memref<1x1x128x32xf32, #tpu.memory_space<vmem>>
      %dma_wait3A_380 = tpu.memref_squeeze %dma_wait3A_379 : memref<1x1x128x32xf32, #tpu.memory_space<vmem>> -> memref<128x32xf32, #tpu.memory_space<vmem>>
      %dma_wait3A_381 = arith.constant 0 : i32
      %dma_wait3A_382 = tpu.memref_slice %arg5[%add3A_375, %dma_wait3A_381] : memref<200x128xi32, #tpu.memory_space<vmem>> -> memref<1x128xi32, #tpu.memory_space<vmem>>
      %dma_wait3A_383 = tpu.memref_squeeze %dma_wait3A_382 : memref<1x128xi32, #tpu.memory_space<vmem>> -> memref<128xi32, #tpu.memory_space<vmem>>
      %dma_wait3A_384 = arith.constant 0 : i32
      %dma_wait3A_385 = arith.constant 0 : i32
      %dma_wait3A_386 = tpu.memref_slice %arg3[%dma_wait3A_384, %dma_wait3A_385] : memref<1000000x32xf32, #tpu.memory_space<hbm>> -> memref<1000000x32xf32, #tpu.memory_space<hbm>>
      tpu.wait_indirect_dma semaphore(%arg7 : memref<!tpu.dma_semaphore, #tpu.memory_space<semaphore_mem>>) src(%dma_wait3A_386 : memref<1000000x32xf32, #tpu.memory_space<hbm>>) dst(%dma_wait3A_380 : memref<128x32xf32, #tpu.memory_space<vmem>>)
      %mul3A_387 = arith.constant 8 : i32
      %mul3A_388 = arith.muli %scan3A_231, %mul3A_387 : i32
      %add3A_389 = arith.constant 2 : i32
      %add3A_390 = arith.addi %mul3A_388, %add3A_389 : i32
      %dma_wait3A_391 = arith.constant 2 : i32
      %dma_wait3A_392 = arith.constant 0 : i32
      %dma_wait3A_393 = arith.constant 0 : i32
      %dma_wait3A_394 = tpu.memref_slice %arg6[%rem3A_232, %dma_wait3A_391, %dma_wait3A_392, %dma_wait3A_393] : memref<2x8x128x32xf32, #tpu.memory_space<vmem>> -> memref<1x1x128x32xf32, #tpu.memory_space<vmem>>
      %dma_wait3A_395 = tpu.memref_squeeze %dma_wait3A_394 : memref<1x1x128x32xf32, #tpu.memory_space<vmem>> -> memref<128x32xf32, #tpu.memory_space<vmem>>
      %dma_wait3A_396 = arith.constant 0 : i32
      %dma_wait3A_397 = tpu.memref_slice %arg5[%add3A_390, %dma_wait3A_396] : memref<200x128xi32, #tpu.memory_space<vmem>> -> memref<1x128xi32, #tpu.memory_space<vmem>>
      %dma_wait3A_398 = tpu.memref_squeeze %dma_wait3A_397 : memref<1x128xi32, #tpu.memory_space<vmem>> -> memref<128xi32, #tpu.memory_space<vmem>>
      %dma_wait3A_399 = arith.constant 0 : i32
      %dma_wait3A_400 = arith.constant 0 : i32
      %dma_wait3A_401 = tpu.memref_slice %arg3[%dma_wait3A_399, %dma_wait3A_400] : memref<1000000x32xf32, #tpu.memory_space<hbm>> -> memref<1000000x32xf32, #tpu.memory_space<hbm>>
      tpu.wait_indirect_dma semaphore(%arg7 : memref<!tpu.dma_semaphore, #tpu.memory_space<semaphore_mem>>) src(%dma_wait3A_401 : memref<1000000x32xf32, #tpu.memory_space<hbm>>) dst(%dma_wait3A_395 : memref<128x32xf32, #tpu.memory_space<vmem>>)
      %mul3A_402 = arith.constant 8 : i32
      %mul3A_403 = arith.muli %scan3A_231, %mul3A_402 : i32
      %add3A_404 = arith.constant 3 : i32
      %add3A_405 = arith.addi %mul3A_403, %add3A_404 : i32
      %dma_wait3A_406 = arith.constant 3 : i32
      %dma_wait3A_407 = arith.constant 0 : i32
      %dma_wait3A_408 = arith.constant 0 : i32
      %dma_wait3A_409 = tpu.memref_slice %arg6[%rem3A_232, %dma_wait3A_406, %dma_wait3A_407, %dma_wait3A_408] : memref<2x8x128x32xf32, #tpu.memory_space<vmem>> -> memref<1x1x128x32xf32, #tpu.memory_space<vmem>>
      %dma_wait3A_410 = tpu.memref_squeeze %dma_wait3A_409 : memref<1x1x128x32xf32, #tpu.memory_space<vmem>> -> memref<128x32xf32, #tpu.memory_space<vmem>>
      %dma_wait3A_411 = arith.constant 0 : i32
      %dma_wait3A_412 = tpu.memref_slice %arg5[%add3A_405, %dma_wait3A_411] : memref<200x128xi32, #tpu.memory_space<vmem>> -> memref<1x128xi32, #tpu.memory_space<vmem>>
      %dma_wait3A_413 = tpu.memref_squeeze %dma_wait3A_412 : memref<1x128xi32, #tpu.memory_space<vmem>> -> memref<128xi32, #tpu.memory_space<vmem>>
      %dma_wait3A_414 = arith.constant 0 : i32
      %dma_wait3A_415 = arith.constant 0 : i32
      %dma_wait3A_416 = tpu.memref_slice %arg3[%dma_wait3A_414, %dma_wait3A_415] : memref<1000000x32xf32, #tpu.memory_space<hbm>> -> memref<1000000x32xf32, #tpu.memory_space<hbm>>
      tpu.wait_indirect_dma semaphore(%arg7 : memref<!tpu.dma_semaphore, #tpu.memory_space<semaphore_mem>>) src(%dma_wait3A_416 : memref<1000000x32xf32, #tpu.memory_space<hbm>>) dst(%dma_wait3A_410 : memref<128x32xf32, #tpu.memory_space<vmem>>)
      %mul3A_417 = arith.constant 8 : i32
      %mul3A_418 = arith.muli %scan3A_231, %mul3A_417 : i32
      %add3A_419 = arith.constant 4 : i32
      %add3A_420 = arith.addi %mul3A_418, %add3A_419 : i32
      %dma_wait3A_421 = arith.constant 4 : i32
      %dma_wait3A_422 = arith.constant 0 : i32
      %dma_wait3A_423 = arith.constant 0 : i32
      %dma_wait3A_424 = tpu.memref_slice %arg6[%rem3A_232, %dma_wait3A_421, %dma_wait3A_422, %dma_wait3A_423] : memref<2x8x128x32xf32, #tpu.memory_space<vmem>> -> memref<1x1x128x32xf32, #tpu.memory_space<vmem>>
      %dma_wait3A_425 = tpu.memref_squeeze %dma_wait3A_424 : memref<1x1x128x32xf32, #tpu.memory_space<vmem>> -> memref<128x32xf32, #tpu.memory_space<vmem>>
      %dma_wait3A_426 = arith.constant 0 : i32
      %dma_wait3A_427 = tpu.memref_slice %arg5[%add3A_420, %dma_wait3A_426] : memref<200x128xi32, #tpu.memory_space<vmem>> -> memref<1x128xi32, #tpu.memory_space<vmem>>
      %dma_wait3A_428 = tpu.memref_squeeze %dma_wait3A_427 : memref<1x128xi32, #tpu.memory_space<vmem>> -> memref<128xi32, #tpu.memory_space<vmem>>
      %dma_wait3A_429 = arith.constant 0 : i32
      %dma_wait3A_430 = arith.constant 0 : i32
      %dma_wait3A_431 = tpu.memref_slice %arg3[%dma_wait3A_429, %dma_wait3A_430] : memref<1000000x32xf32, #tpu.memory_space<hbm>> -> memref<1000000x32xf32, #tpu.memory_space<hbm>>
      tpu.wait_indirect_dma semaphore(%arg7 : memref<!tpu.dma_semaphore, #tpu.memory_space<semaphore_mem>>) src(%dma_wait3A_431 : memref<1000000x32xf32, #tpu.memory_space<hbm>>) dst(%dma_wait3A_425 : memref<128x32xf32, #tpu.memory_space<vmem>>)
      %mul3A_432 = arith.constant 8 : i32
      %mul3A_433 = arith.muli %scan3A_231, %mul3A_432 : i32
      %add3A_434 = arith.constant 5 : i32
      %add3A_435 = arith.addi %mul3A_433, %add3A_434 : i32
      %dma_wait3A_436 = arith.constant 5 : i32
      %dma_wait3A_437 = arith.constant 0 : i32
      %dma_wait3A_438 = arith.constant 0 : i32
      %dma_wait3A_439 = tpu.memref_slice %arg6[%rem3A_232, %dma_wait3A_436, %dma_wait3A_437, %dma_wait3A_438] : memref<2x8x128x32xf32, #tpu.memory_space<vmem>> -> memref<1x1x128x32xf32, #tpu.memory_space<vmem>>
      %dma_wait3A_440 = tpu.memref_squeeze %dma_wait3A_439 : memref<1x1x128x32xf32, #tpu.memory_space<vmem>> -> memref<128x32xf32, #tpu.memory_space<vmem>>
      %dma_wait3A_441 = arith.constant 0 : i32
      %dma_wait3A_442 = tpu.memref_slice %arg5[%add3A_435, %dma_wait3A_441] : memref<200x128xi32, #tpu.memory_space<vmem>> -> memref<1x128xi32, #tpu.memory_space<vmem>>
      %dma_wait3A_443 = tpu.memref_squeeze %dma_wait3A_442 : memref<1x128xi32, #tpu.memory_space<vmem>> -> memref<128xi32, #tpu.memory_space<vmem>>
      %dma_wait3A_444 = arith.constant 0 : i32
      %dma_wait3A_445 = arith.constant 0 : i32
      %dma_wait3A_446 = tpu.memref_slice %arg3[%dma_wait3A_444, %dma_wait3A_445] : memref<1000000x32xf32, #tpu.memory_space<hbm>> -> memref<1000000x32xf32, #tpu.memory_space<hbm>>
      tpu.wait_indirect_dma semaphore(%arg7 : memref<!tpu.dma_semaphore, #tpu.memory_space<semaphore_mem>>) src(%dma_wait3A_446 : memref<1000000x32xf32, #tpu.memory_space<hbm>>) dst(%dma_wait3A_440 : memref<128x32xf32, #tpu.memory_space<vmem>>)
      %mul3A_447 = arith.constant 8 : i32
      %mul3A_448 = arith.muli %scan3A_231, %mul3A_447 : i32
      %add3A_449 = arith.constant 6 : i32
      %add3A_450 = arith.addi %mul3A_448, %add3A_449 : i32
      %dma_wait3A_451 = arith.constant 6 : i32
      %dma_wait3A_452 = arith.constant 0 : i32
      %dma_wait3A_453 = arith.constant 0 : i32
      %dma_wait3A_454 = tpu.memref_slice %arg6[%rem3A_232, %dma_wait3A_451, %dma_wait3A_452, %dma_wait3A_453] : memref<2x8x128x32xf32, #tpu.memory_space<vmem>> -> memref<1x1x128x32xf32, #tpu.memory_space<vmem>>
      %dma_wait3A_455 = tpu.memref_squeeze %dma_wait3A_454 : memref<1x1x128x32xf32, #tpu.memory_space<vmem>> -> memref<128x32xf32, #tpu.memory_space<vmem>>
      %dma_wait3A_456 = arith.constant 0 : i32
      %dma_wait3A_457 = tpu.memref_slice %arg5[%add3A_450, %dma_wait3A_456] : memref<200x128xi32, #tpu.memory_space<vmem>> -> memref<1x128xi32, #tpu.memory_space<vmem>>
      %dma_wait3A_458 = tpu.memref_squeeze %dma_wait3A_457 : memref<1x128xi32, #tpu.memory_space<vmem>> -> memref<128xi32, #tpu.memory_space<vmem>>
      %dma_wait3A_459 = arith.constant 0 : i32
      %dma_wait3A_460 = arith.constant 0 : i32
      %dma_wait3A_461 = tpu.memref_slice %arg3[%dma_wait3A_459, %dma_wait3A_460] : memref<1000000x32xf32, #tpu.memory_space<hbm>> -> memref<1000000x32xf32, #tpu.memory_space<hbm>>
      tpu.wait_indirect_dma semaphore(%arg7 : memref<!tpu.dma_semaphore, #tpu.memory_space<semaphore_mem>>) src(%dma_wait3A_461 : memref<1000000x32xf32, #tpu.memory_space<hbm>>) dst(%dma_wait3A_455 : memref<128x32xf32, #tpu.memory_space<vmem>>)
      %mul3A_462 = arith.constant 8 : i32
      %mul3A_463 = arith.muli %scan3A_231, %mul3A_462 : i32
      %add3A_464 = arith.constant 7 : i32
      %add3A_465 = arith.addi %mul3A_463, %add3A_464 : i32
      %dma_wait3A_466 = arith.constant 7 : i32
      %dma_wait3A_467 = arith.constant 0 : i32
      %dma_wait3A_468 = arith.constant 0 : i32
      %dma_wait3A_469 = tpu.memref_slice %arg6[%rem3A_232, %dma_wait3A_466, %dma_wait3A_467, %dma_wait3A_468] : memref<2x8x128x32xf32, #tpu.memory_space<vmem>> -> memref<1x1x128x32xf32, #tpu.memory_space<vmem>>
      %dma_wait3A_470 = tpu.memref_squeeze %dma_wait3A_469 : memref<1x1x128x32xf32, #tpu.memory_space<vmem>> -> memref<128x32xf32, #tpu.memory_space<vmem>>
      %dma_wait3A_471 = arith.constant 0 : i32
      %dma_wait3A_472 = tpu.memref_slice %arg5[%add3A_465, %dma_wait3A_471] : memref<200x128xi32, #tpu.memory_space<vmem>> -> memref<1x128xi32, #tpu.memory_space<vmem>>
      %dma_wait3A_473 = tpu.memref_squeeze %dma_wait3A_472 : memref<1x128xi32, #tpu.memory_space<vmem>> -> memref<128xi32, #tpu.memory_space<vmem>>
      %dma_wait3A_474 = arith.constant 0 : i32
      %dma_wait3A_475 = arith.constant 0 : i32
      %dma_wait3A_476 = tpu.memref_slice %arg3[%dma_wait3A_474, %dma_wait3A_475] : memref<1000000x32xf32, #tpu.memory_space<hbm>> -> memref<1000000x32xf32, #tpu.memory_space<hbm>>
      tpu.wait_indirect_dma semaphore(%arg7 : memref<!tpu.dma_semaphore, #tpu.memory_space<semaphore_mem>>) src(%dma_wait3A_476 : memref<1000000x32xf32, #tpu.memory_space<hbm>>) dst(%dma_wait3A_470 : memref<128x32xf32, #tpu.memory_space<vmem>>)
      %add3A_477 = arith.constant 0 : i32
      %add3A_478 = arith.addi %add3A_235, %add3A_477 : i32
      %dma_start3A_479 = arith.constant 0 : i32
      %dma_start3A_480 = arith.constant 0 : i32
      %dma_start3A_481 = arith.constant 0 : i32
      %dma_start3A_482 = tpu.memref_slice %arg6[%rem3A_232, %dma_start3A_479, %dma_start3A_480, %dma_start3A_481] : memref<2x8x128x32xf32, #tpu.memory_space<vmem>> -> memref<1x1x128x32xf32, #tpu.memory_space<vmem>>
      %dma_start3A_483 = tpu.memref_squeeze %dma_start3A_482 : memref<1x1x128x32xf32, #tpu.memory_space<vmem>> -> memref<128x32xf32, #tpu.memory_space<vmem>>
      %dma_start3A_484 = arith.constant 0 : i32
      %dma_start3A_485 = tpu.memref_slice %arg4[%add3A_478, %dma_start3A_484] : memref<819200x32xf32, #tpu.memory_space<hbm>> -> memref<128x32xf32, #tpu.memory_space<hbm>>
      %dma_start3A_486 = arith.constant 0 : i32
      %dma_start3A_487 = tpu.memref_slice %arg4[%add3A_478, %dma_start3A_486] : memref<819200x32xf32, #tpu.memory_space<hbm>> -> memref<128x32xf32, #tpu.memory_space<hbm>>
      %dma_start3A_488 = arith.constant 0 : i32
      %dma_start3A_489 = arith.constant 0 : i32
      %dma_start3A_490 = tpu.memref_slice %arg6[%rem3A_232, %dma_start3A_479, %dma_start3A_488, %dma_start3A_489] : memref<2x8x128x32xf32, #tpu.memory_space<vmem>> -> memref<1x1x128x32xf32, #tpu.memory_space<vmem>>
      %dma_start3A_491 = tpu.memref_squeeze %dma_start3A_490 : memref<1x1x128x32xf32, #tpu.memory_space<vmem>> -> memref<128x32xf32, #tpu.memory_space<vmem>>
      tpu.enqueue_dma source(%dma_start3A_491 : memref<128x32xf32, #tpu.memory_space<vmem>>) target(%dma_start3A_487 : memref<128x32xf32, #tpu.memory_space<hbm>>) target_semaphore(%arg8 : memref<!tpu.dma_semaphore, #tpu.memory_space<semaphore_mem>>)
      %add3A_492 = arith.constant 128 : i32
      %add3A_493 = arith.addi %add3A_235, %add3A_492 : i32
      %dma_start3A_494 = arith.constant 1 : i32
      %dma_start3A_495 = arith.constant 0 : i32
      %dma_start3A_496 = arith.constant 0 : i32
      %dma_start3A_497 = tpu.memref_slice %arg6[%rem3A_232, %dma_start3A_494, %dma_start3A_495, %dma_start3A_496] : memref<2x8x128x32xf32, #tpu.memory_space<vmem>> -> memref<1x1x128x32xf32, #tpu.memory_space<vmem>>
      %dma_start3A_498 = tpu.memref_squeeze %dma_start3A_497 : memref<1x1x128x32xf32, #tpu.memory_space<vmem>> -> memref<128x32xf32, #tpu.memory_space<vmem>>
      %dma_start3A_499 = arith.constant 0 : i32
      %dma_start3A_500 = tpu.memref_slice %arg4[%add3A_493, %dma_start3A_499] : memref<819200x32xf32, #tpu.memory_space<hbm>> -> memref<128x32xf32, #tpu.memory_space<hbm>>
      %dma_start3A_501 = arith.constant 0 : i32
      %dma_start3A_502 = tpu.memref_slice %arg4[%add3A_493, %dma_start3A_501] : memref<819200x32xf32, #tpu.memory_space<hbm>> -> memref<128x32xf32, #tpu.memory_space<hbm>>
      %dma_start3A_503 = arith.constant 0 : i32
      %dma_start3A_504 = arith.constant 0 : i32
      %dma_start3A_505 = tpu.memref_slice %arg6[%rem3A_232, %dma_start3A_494, %dma_start3A_503, %dma_start3A_504] : memref<2x8x128x32xf32, #tpu.memory_space<vmem>> -> memref<1x1x128x32xf32, #tpu.memory_space<vmem>>
      %dma_start3A_506 = tpu.memref_squeeze %dma_start3A_505 : memref<1x1x128x32xf32, #tpu.memory_space<vmem>> -> memref<128x32xf32, #tpu.memory_space<vmem>>
      tpu.enqueue_dma source(%dma_start3A_506 : memref<128x32xf32, #tpu.memory_space<vmem>>) target(%dma_start3A_502 : memref<128x32xf32, #tpu.memory_space<hbm>>) target_semaphore(%arg8 : memref<!tpu.dma_semaphore, #tpu.memory_space<semaphore_mem>>)
      %add3A_507 = arith.constant 256 : i32
      %add3A_508 = arith.addi %add3A_235, %add3A_507 : i32
      %dma_start3A_509 = arith.constant 2 : i32
      %dma_start3A_510 = arith.constant 0 : i32
      %dma_start3A_511 = arith.constant 0 : i32
      %dma_start3A_512 = tpu.memref_slice %arg6[%rem3A_232, %dma_start3A_509, %dma_start3A_510, %dma_start3A_511] : memref<2x8x128x32xf32, #tpu.memory_space<vmem>> -> memref<1x1x128x32xf32, #tpu.memory_space<vmem>>
      %dma_start3A_513 = tpu.memref_squeeze %dma_start3A_512 : memref<1x1x128x32xf32, #tpu.memory_space<vmem>> -> memref<128x32xf32, #tpu.memory_space<vmem>>
      %dma_start3A_514 = arith.constant 0 : i32
      %dma_start3A_515 = tpu.memref_slice %arg4[%add3A_508, %dma_start3A_514] : memref<819200x32xf32, #tpu.memory_space<hbm>> -> memref<128x32xf32, #tpu.memory_space<hbm>>
      %dma_start3A_516 = arith.constant 0 : i32
      %dma_start3A_517 = tpu.memref_slice %arg4[%add3A_508, %dma_start3A_516] : memref<819200x32xf32, #tpu.memory_space<hbm>> -> memref<128x32xf32, #tpu.memory_space<hbm>>
      %dma_start3A_518 = arith.constant 0 : i32
      %dma_start3A_519 = arith.constant 0 : i32
      %dma_start3A_520 = tpu.memref_slice %arg6[%rem3A_232, %dma_start3A_509, %dma_start3A_518, %dma_start3A_519] : memref<2x8x128x32xf32, #tpu.memory_space<vmem>> -> memref<1x1x128x32xf32, #tpu.memory_space<vmem>>
      %dma_start3A_521 = tpu.memref_squeeze %dma_start3A_520 : memref<1x1x128x32xf32, #tpu.memory_space<vmem>> -> memref<128x32xf32, #tpu.memory_space<vmem>>
      tpu.enqueue_dma source(%dma_start3A_521 : memref<128x32xf32, #tpu.memory_space<vmem>>) target(%dma_start3A_517 : memref<128x32xf32, #tpu.memory_space<hbm>>) target_semaphore(%arg8 : memref<!tpu.dma_semaphore, #tpu.memory_space<semaphore_mem>>)
      %add3A_522 = arith.constant 384 : i32
      %add3A_523 = arith.addi %add3A_235, %add3A_522 : i32
      %dma_start3A_524 = arith.constant 3 : i32
      %dma_start3A_525 = arith.constant 0 : i32
      %dma_start3A_526 = arith.constant 0 : i32
      %dma_start3A_527 = tpu.memref_slice %arg6[%rem3A_232, %dma_start3A_524, %dma_start3A_525, %dma_start3A_526] : memref<2x8x128x32xf32, #tpu.memory_space<vmem>> -> memref<1x1x128x32xf32, #tpu.memory_space<vmem>>
      %dma_start3A_528 = tpu.memref_squeeze %dma_start3A_527 : memref<1x1x128x32xf32, #tpu.memory_space<vmem>> -> memref<128x32xf32, #tpu.memory_space<vmem>>
      %dma_start3A_529 = arith.constant 0 : i32
      %dma_start3A_530 = tpu.memref_slice %arg4[%add3A_523, %dma_start3A_529] : memref<819200x32xf32, #tpu.memory_space<hbm>> -> memref<128x32xf32, #tpu.memory_space<hbm>>
      %dma_start3A_531 = arith.constant 0 : i32
      %dma_start3A_532 = tpu.memref_slice %arg4[%add3A_523, %dma_start3A_531] : memref<819200x32xf32, #tpu.memory_space<hbm>> -> memref<128x32xf32, #tpu.memory_space<hbm>>
      %dma_start3A_533 = arith.constant 0 : i32
      %dma_start3A_534 = arith.constant 0 : i32
      %dma_start3A_535 = tpu.memref_slice %arg6[%rem3A_232, %dma_start3A_524, %dma_start3A_533, %dma_start3A_534] : memref<2x8x128x32xf32, #tpu.memory_space<vmem>> -> memref<1x1x128x32xf32, #tpu.memory_space<vmem>>
      %dma_start3A_536 = tpu.memref_squeeze %dma_start3A_535 : memref<1x1x128x32xf32, #tpu.memory_space<vmem>> -> memref<128x32xf32, #tpu.memory_space<vmem>>
      tpu.enqueue_dma source(%dma_start3A_536 : memref<128x32xf32, #tpu.memory_space<vmem>>) target(%dma_start3A_532 : memref<128x32xf32, #tpu.memory_space<hbm>>) target_semaphore(%arg8 : memref<!tpu.dma_semaphore, #tpu.memory_space<semaphore_mem>>)
      %add3A_537 = arith.constant 512 : i32
      %add3A_538 = arith.addi %add3A_235, %add3A_537 : i32
      %dma_start3A_539 = arith.constant 4 : i32
      %dma_start3A_540 = arith.constant 0 : i32
      %dma_start3A_541 = arith.constant 0 : i32
      %dma_start3A_542 = tpu.memref_slice %arg6[%rem3A_232, %dma_start3A_539, %dma_start3A_540, %dma_start3A_541] : memref<2x8x128x32xf32, #tpu.memory_space<vmem>> -> memref<1x1x128x32xf32, #tpu.memory_space<vmem>>
      %dma_start3A_543 = tpu.memref_squeeze %dma_start3A_542 : memref<1x1x128x32xf32, #tpu.memory_space<vmem>> -> memref<128x32xf32, #tpu.memory_space<vmem>>
      %dma_start3A_544 = arith.constant 0 : i32
      %dma_start3A_545 = tpu.memref_slice %arg4[%add3A_538, %dma_start3A_544] : memref<819200x32xf32, #tpu.memory_space<hbm>> -> memref<128x32xf32, #tpu.memory_space<hbm>>
      %dma_start3A_546 = arith.constant 0 : i32
      %dma_start3A_547 = tpu.memref_slice %arg4[%add3A_538, %dma_start3A_546] : memref<819200x32xf32, #tpu.memory_space<hbm>> -> memref<128x32xf32, #tpu.memory_space<hbm>>
      %dma_start3A_548 = arith.constant 0 : i32
      %dma_start3A_549 = arith.constant 0 : i32
      %dma_start3A_550 = tpu.memref_slice %arg6[%rem3A_232, %dma_start3A_539, %dma_start3A_548, %dma_start3A_549] : memref<2x8x128x32xf32, #tpu.memory_space<vmem>> -> memref<1x1x128x32xf32, #tpu.memory_space<vmem>>
      %dma_start3A_551 = tpu.memref_squeeze %dma_start3A_550 : memref<1x1x128x32xf32, #tpu.memory_space<vmem>> -> memref<128x32xf32, #tpu.memory_space<vmem>>
      tpu.enqueue_dma source(%dma_start3A_551 : memref<128x32xf32, #tpu.memory_space<vmem>>) target(%dma_start3A_547 : memref<128x32xf32, #tpu.memory_space<hbm>>) target_semaphore(%arg8 : memref<!tpu.dma_semaphore, #tpu.memory_space<semaphore_mem>>)
      %add3A_552 = arith.constant 640 : i32
      %add3A_553 = arith.addi %add3A_235, %add3A_552 : i32
      %dma_start3A_554 = arith.constant 5 : i32
      %dma_start3A_555 = arith.constant 0 : i32
      %dma_start3A_556 = arith.constant 0 : i32
      %dma_start3A_557 = tpu.memref_slice %arg6[%rem3A_232, %dma_start3A_554, %dma_start3A_555, %dma_start3A_556] : memref<2x8x128x32xf32, #tpu.memory_space<vmem>> -> memref<1x1x128x32xf32, #tpu.memory_space<vmem>>
      %dma_start3A_558 = tpu.memref_squeeze %dma_start3A_557 : memref<1x1x128x32xf32, #tpu.memory_space<vmem>> -> memref<128x32xf32, #tpu.memory_space<vmem>>
      %dma_start3A_559 = arith.constant 0 : i32
      %dma_start3A_560 = tpu.memref_slice %arg4[%add3A_553, %dma_start3A_559] : memref<819200x32xf32, #tpu.memory_space<hbm>> -> memref<128x32xf32, #tpu.memory_space<hbm>>
      %dma_start3A_561 = arith.constant 0 : i32
      %dma_start3A_562 = tpu.memref_slice %arg4[%add3A_553, %dma_start3A_561] : memref<819200x32xf32, #tpu.memory_space<hbm>> -> memref<128x32xf32, #tpu.memory_space<hbm>>
      %dma_start3A_563 = arith.constant 0 : i32
      %dma_start3A_564 = arith.constant 0 : i32
      %dma_start3A_565 = tpu.memref_slice %arg6[%rem3A_232, %dma_start3A_554, %dma_start3A_563, %dma_start3A_564] : memref<2x8x128x32xf32, #tpu.memory_space<vmem>> -> memref<1x1x128x32xf32, #tpu.memory_space<vmem>>
      %dma_start3A_566 = tpu.memref_squeeze %dma_start3A_565 : memref<1x1x128x32xf32, #tpu.memory_space<vmem>> -> memref<128x32xf32, #tpu.memory_space<vmem>>
      tpu.enqueue_dma source(%dma_start3A_566 : memref<128x32xf32, #tpu.memory_space<vmem>>) target(%dma_start3A_562 : memref<128x32xf32, #tpu.memory_space<hbm>>) target_semaphore(%arg8 : memref<!tpu.dma_semaphore, #tpu.memory_space<semaphore_mem>>)
      %add3A_567 = arith.constant 768 : i32
      %add3A_568 = arith.addi %add3A_235, %add3A_567 : i32
      %dma_start3A_569 = arith.constant 6 : i32
      %dma_start3A_570 = arith.constant 0 : i32
      %dma_start3A_571 = arith.constant 0 : i32
      %dma_start3A_572 = tpu.memref_slice %arg6[%rem3A_232, %dma_start3A_569, %dma_start3A_570, %dma_start3A_571] : memref<2x8x128x32xf32, #tpu.memory_space<vmem>> -> memref<1x1x128x32xf32, #tpu.memory_space<vmem>>
      %dma_start3A_573 = tpu.memref_squeeze %dma_start3A_572 : memref<1x1x128x32xf32, #tpu.memory_space<vmem>> -> memref<128x32xf32, #tpu.memory_space<vmem>>
      %dma_start3A_574 = arith.constant 0 : i32
      %dma_start3A_575 = tpu.memref_slice %arg4[%add3A_568, %dma_start3A_574] : memref<819200x32xf32, #tpu.memory_space<hbm>> -> memref<128x32xf32, #tpu.memory_space<hbm>>
      %dma_start3A_576 = arith.constant 0 : i32
      %dma_start3A_577 = tpu.memref_slice %arg4[%add3A_568, %dma_start3A_576] : memref<819200x32xf32, #tpu.memory_space<hbm>> -> memref<128x32xf32, #tpu.memory_space<hbm>>
      %dma_start3A_578 = arith.constant 0 : i32
      %dma_start3A_579 = arith.constant 0 : i32
      %dma_start3A_580 = tpu.memref_slice %arg6[%rem3A_232, %dma_start3A_569, %dma_start3A_578, %dma_start3A_579] : memref<2x8x128x32xf32, #tpu.memory_space<vmem>> -> memref<1x1x128x32xf32, #tpu.memory_space<vmem>>
      %dma_start3A_581 = tpu.memref_squeeze %dma_start3A_580 : memref<1x1x128x32xf32, #tpu.memory_space<vmem>> -> memref<128x32xf32, #tpu.memory_space<vmem>>
      tpu.enqueue_dma source(%dma_start3A_581 : memref<128x32xf32, #tpu.memory_space<vmem>>) target(%dma_start3A_577 : memref<128x32xf32, #tpu.memory_space<hbm>>) target_semaphore(%arg8 : memref<!tpu.dma_semaphore, #tpu.memory_space<semaphore_mem>>)
      %add3A_582 = arith.constant 896 : i32
      %add3A_583 = arith.addi %add3A_235, %add3A_582 : i32
      %dma_start3A_584 = arith.constant 7 : i32
      %dma_start3A_585 = arith.constant 0 : i32
      %dma_start3A_586 = arith.constant 0 : i32
      %dma_start3A_587 = tpu.memref_slice %arg6[%rem3A_232, %dma_start3A_584, %dma_start3A_585, %dma_start3A_586] : memref<2x8x128x32xf32, #tpu.memory_space<vmem>> -> memref<1x1x128x32xf32, #tpu.memory_space<vmem>>
      %dma_start3A_588 = tpu.memref_squeeze %dma_start3A_587 : memref<1x1x128x32xf32, #tpu.memory_space<vmem>> -> memref<128x32xf32, #tpu.memory_space<vmem>>
      %dma_start3A_589 = arith.constant 0 : i32
      %dma_start3A_590 = tpu.memref_slice %arg4[%add3A_583, %dma_start3A_589] : memref<819200x32xf32, #tpu.memory_space<hbm>> -> memref<128x32xf32, #tpu.memory_space<hbm>>
      %dma_start3A_591 = arith.constant 0 : i32
      %dma_start3A_592 = tpu.memref_slice %arg4[%add3A_583, %dma_start3A_591] : memref<819200x32xf32, #tpu.memory_space<hbm>> -> memref<128x32xf32, #tpu.memory_space<hbm>>
      %dma_start3A_593 = arith.constant 0 : i32
      %dma_start3A_594 = arith.constant 0 : i32
      %dma_start3A_595 = tpu.memref_slice %arg6[%rem3A_232, %dma_start3A_584, %dma_start3A_593, %dma_start3A_594] : memref<2x8x128x32xf32, #tpu.memory_space<vmem>> -> memref<1x1x128x32xf32, #tpu.memory_space<vmem>>
      %dma_start3A_596 = tpu.memref_squeeze %dma_start3A_595 : memref<1x1x128x32xf32, #tpu.memory_space<vmem>> -> memref<128x32xf32, #tpu.memory_space<vmem>>
      tpu.enqueue_dma source(%dma_start3A_596 : memref<128x32xf32, #tpu.memory_space<vmem>>) target(%dma_start3A_592 : memref<128x32xf32, #tpu.memory_space<hbm>>) target_semaphore(%arg8 : memref<!tpu.dma_semaphore, #tpu.memory_space<semaphore_mem>>)
    }
    %scan3A_7 = arith.constant 25 : i32
    %dma_wait3A = arith.constant 0 : i32
    %dma_wait3A_8 = arith.constant 0 : i32
    %dma_wait3A_9 = arith.constant 0 : i32
    %dma_wait3A_10 = arith.constant 0 : i32
    %dma_wait3A_11 = tpu.memref_slice %arg6[%dma_wait3A, %dma_wait3A_8, %dma_wait3A_9, %dma_wait3A_10] : memref<2x8x128x32xf32, #tpu.memory_space<vmem>> -> memref<1x1x128x32xf32, #tpu.memory_space<vmem>>
    %dma_wait3A_12 = tpu.memref_squeeze %dma_wait3A_11 : memref<1x1x128x32xf32, #tpu.memory_space<vmem>> -> memref<128x32xf32, #tpu.memory_space<vmem>>
    %dma_wait3A_13 = arith.constant 0 : i32
    %dma_wait3A_14 = tpu.memref_slice %arg4[%mul3A_2, %dma_wait3A_13] : memref<819200x32xf32, #tpu.memory_space<hbm>> -> memref<128x32xf32, #tpu.memory_space<hbm>>
    %dma_wait3A_15 = arith.constant 0 : i32
    %dma_wait3A_16 = tpu.memref_slice %arg4[%mul3A_2, %dma_wait3A_15] : memref<819200x32xf32, #tpu.memory_space<hbm>> -> memref<128x32xf32, #tpu.memory_space<hbm>>
    %dma_wait3A_17 = arith.constant 0 : i32
    %dma_wait3A_18 = arith.constant 0 : i32
    %dma_wait3A_19 = tpu.memref_slice %arg6[%dma_wait3A, %dma_wait3A_8, %dma_wait3A_17, %dma_wait3A_18] : memref<2x8x128x32xf32, #tpu.memory_space<vmem>> -> memref<1x1x128x32xf32, #tpu.memory_space<vmem>>
    %dma_wait3A_20 = tpu.memref_squeeze %dma_wait3A_19 : memref<1x1x128x32xf32, #tpu.memory_space<vmem>> -> memref<128x32xf32, #tpu.memory_space<vmem>>
    tpu.wait_dma2 semaphore(%arg8 : memref<!tpu.dma_semaphore, #tpu.memory_space<semaphore_mem>>) src(%dma_wait3A_20 : memref<128x32xf32, #tpu.memory_space<vmem>>) dst(%dma_wait3A_16 : memref<128x32xf32, #tpu.memory_space<hbm>>)
    %dma_wait3A_21 = arith.constant 0 : i32
    %dma_wait3A_22 = arith.constant 0 : i32
    %dma_wait3A_23 = arith.constant 0 : i32
    %dma_wait3A_24 = arith.constant 0 : i32
    %dma_wait3A_25 = tpu.memref_slice %arg6[%dma_wait3A_21, %dma_wait3A_22, %dma_wait3A_23, %dma_wait3A_24] : memref<2x8x128x32xf32, #tpu.memory_space<vmem>> -> memref<1x1x128x32xf32, #tpu.memory_space<vmem>>
    %dma_wait3A_26 = tpu.memref_squeeze %dma_wait3A_25 : memref<1x1x128x32xf32, #tpu.memory_space<vmem>> -> memref<128x32xf32, #tpu.memory_space<vmem>>
    %dma_wait3A_27 = arith.constant 0 : i32
    %dma_wait3A_28 = tpu.memref_slice %arg4[%mul3A_2, %dma_wait3A_27] : memref<819200x32xf32, #tpu.memory_space<hbm>> -> memref<128x32xf32, #tpu.memory_space<hbm>>
    %dma_wait3A_29 = arith.constant 0 : i32
    %dma_wait3A_30 = tpu.memref_slice %arg4[%mul3A_2, %dma_wait3A_29] : memref<819200x32xf32, #tpu.memory_space<hbm>> -> memref<128x32xf32, #tpu.memory_space<hbm>>
    %dma_wait3A_31 = arith.constant 0 : i32
    %dma_wait3A_32 = arith.constant 0 : i32
    %dma_wait3A_33 = tpu.memref_slice %arg6[%dma_wait3A_21, %dma_wait3A_22, %dma_wait3A_31, %dma_wait3A_32] : memref<2x8x128x32xf32, #tpu.memory_space<vmem>> -> memref<1x1x128x32xf32, #tpu.memory_space<vmem>>
    %dma_wait3A_34 = tpu.memref_squeeze %dma_wait3A_33 : memref<1x1x128x32xf32, #tpu.memory_space<vmem>> -> memref<128x32xf32, #tpu.memory_space<vmem>>
    tpu.wait_dma2 semaphore(%arg8 : memref<!tpu.dma_semaphore, #tpu.memory_space<semaphore_mem>>) src(%dma_wait3A_34 : memref<128x32xf32, #tpu.memory_space<vmem>>) dst(%dma_wait3A_30 : memref<128x32xf32, #tpu.memory_space<hbm>>)
    %dma_wait3A_35 = arith.constant 0 : i32
    %dma_wait3A_36 = arith.constant 0 : i32
    %dma_wait3A_37 = arith.constant 0 : i32
    %dma_wait3A_38 = arith.constant 0 : i32
    %dma_wait3A_39 = tpu.memref_slice %arg6[%dma_wait3A_35, %dma_wait3A_36, %dma_wait3A_37, %dma_wait3A_38] : memref<2x8x128x32xf32, #tpu.memory_space<vmem>> -> memref<1x1x128x32xf32, #tpu.memory_space<vmem>>
    %dma_wait3A_40 = tpu.memref_squeeze %dma_wait3A_39 : memref<1x1x128x32xf32, #tpu.memory_space<vmem>> -> memref<128x32xf32, #tpu.memory_space<vmem>>
    %dma_wait3A_41 = arith.constant 0 : i32
    %dma_wait3A_42 = tpu.memref_slice %arg4[%mul3A_2, %dma_wait3A_41] : memref<819200x32xf32, #tpu.memory_space<hbm>> -> memref<128x32xf32, #tpu.memory_space<hbm>>
    %dma_wait3A_43 = arith.constant 0 : i32
    %dma_wait3A_44 = tpu.memref_slice %arg4[%mul3A_2, %dma_wait3A_43] : memref<819200x32xf32, #tpu.memory_space<hbm>> -> memref<128x32xf32, #tpu.memory_space<hbm>>
    %dma_wait3A_45 = arith.constant 0 : i32
    %dma_wait3A_46 = arith.constant 0 : i32
    %dma_wait3A_47 = tpu.memref_slice %arg6[%dma_wait3A_35, %dma_wait3A_36, %dma_wait3A_45, %dma_wait3A_46] : memref<2x8x128x32xf32, #tpu.memory_space<vmem>> -> memref<1x1x128x32xf32, #tpu.memory_space<vmem>>
    %dma_wait3A_48 = tpu.memref_squeeze %dma_wait3A_47 : memref<1x1x128x32xf32, #tpu.memory_space<vmem>> -> memref<128x32xf32, #tpu.memory_space<vmem>>
    tpu.wait_dma2 semaphore(%arg8 : memref<!tpu.dma_semaphore, #tpu.memory_space<semaphore_mem>>) src(%dma_wait3A_48 : memref<128x32xf32, #tpu.memory_space<vmem>>) dst(%dma_wait3A_44 : memref<128x32xf32, #tpu.memory_space<hbm>>)
    %dma_wait3A_49 = arith.constant 0 : i32
    %dma_wait3A_50 = arith.constant 0 : i32
    %dma_wait3A_51 = arith.constant 0 : i32
    %dma_wait3A_52 = arith.constant 0 : i32
    %dma_wait3A_53 = tpu.memref_slice %arg6[%dma_wait3A_49, %dma_wait3A_50, %dma_wait3A_51, %dma_wait3A_52] : memref<2x8x128x32xf32, #tpu.memory_space<vmem>> -> memref<1x1x128x32xf32, #tpu.memory_space<vmem>>
    %dma_wait3A_54 = tpu.memref_squeeze %dma_wait3A_53 : memref<1x1x128x32xf32, #tpu.memory_space<vmem>> -> memref<128x32xf32, #tpu.memory_space<vmem>>
    %dma_wait3A_55 = arith.constant 0 : i32
    %dma_wait3A_56 = tpu.memref_slice %arg4[%mul3A_2, %dma_wait3A_55] : memref<819200x32xf32, #tpu.memory_space<hbm>> -> memref<128x32xf32, #tpu.memory_space<hbm>>
    %dma_wait3A_57 = arith.constant 0 : i32
    %dma_wait3A_58 = tpu.memref_slice %arg4[%mul3A_2, %dma_wait3A_57] : memref<819200x32xf32, #tpu.memory_space<hbm>> -> memref<128x32xf32, #tpu.memory_space<hbm>>
    %dma_wait3A_59 = arith.constant 0 : i32
    %dma_wait3A_60 = arith.constant 0 : i32
    %dma_wait3A_61 = tpu.memref_slice %arg6[%dma_wait3A_49, %dma_wait3A_50, %dma_wait3A_59, %dma_wait3A_60] : memref<2x8x128x32xf32, #tpu.memory_space<vmem>> -> memref<1x1x128x32xf32, #tpu.memory_space<vmem>>
    %dma_wait3A_62 = tpu.memref_squeeze %dma_wait3A_61 : memref<1x1x128x32xf32, #tpu.memory_space<vmem>> -> memref<128x32xf32, #tpu.memory_space<vmem>>
    tpu.wait_dma2 semaphore(%arg8 : memref<!tpu.dma_semaphore, #tpu.memory_space<semaphore_mem>>) src(%dma_wait3A_62 : memref<128x32xf32, #tpu.memory_space<vmem>>) dst(%dma_wait3A_58 : memref<128x32xf32, #tpu.memory_space<hbm>>)
    %dma_wait3A_63 = arith.constant 0 : i32
    %dma_wait3A_64 = arith.constant 0 : i32
    %dma_wait3A_65 = arith.constant 0 : i32
    %dma_wait3A_66 = arith.constant 0 : i32
    %dma_wait3A_67 = tpu.memref_slice %arg6[%dma_wait3A_63, %dma_wait3A_64, %dma_wait3A_65, %dma_wait3A_66] : memref<2x8x128x32xf32, #tpu.memory_space<vmem>> -> memref<1x1x128x32xf32, #tpu.memory_space<vmem>>
    %dma_wait3A_68 = tpu.memref_squeeze %dma_wait3A_67 : memref<1x1x128x32xf32, #tpu.memory_space<vmem>> -> memref<128x32xf32, #tpu.memory_space<vmem>>
    %dma_wait3A_69 = arith.constant 0 : i32
    %dma_wait3A_70 = tpu.memref_slice %arg4[%mul3A_2, %dma_wait3A_69] : memref<819200x32xf32, #tpu.memory_space<hbm>> -> memref<128x32xf32, #tpu.memory_space<hbm>>
    %dma_wait3A_71 = arith.constant 0 : i32
    %dma_wait3A_72 = tpu.memref_slice %arg4[%mul3A_2, %dma_wait3A_71] : memref<819200x32xf32, #tpu.memory_space<hbm>> -> memref<128x32xf32, #tpu.memory_space<hbm>>
    %dma_wait3A_73 = arith.constant 0 : i32
    %dma_wait3A_74 = arith.constant 0 : i32
    %dma_wait3A_75 = tpu.memref_slice %arg6[%dma_wait3A_63, %dma_wait3A_64, %dma_wait3A_73, %dma_wait3A_74] : memref<2x8x128x32xf32, #tpu.memory_space<vmem>> -> memref<1x1x128x32xf32, #tpu.memory_space<vmem>>
    %dma_wait3A_76 = tpu.memref_squeeze %dma_wait3A_75 : memref<1x1x128x32xf32, #tpu.memory_space<vmem>> -> memref<128x32xf32, #tpu.memory_space<vmem>>
    tpu.wait_dma2 semaphore(%arg8 : memref<!tpu.dma_semaphore, #tpu.memory_space<semaphore_mem>>) src(%dma_wait3A_76 : memref<128x32xf32, #tpu.memory_space<vmem>>) dst(%dma_wait3A_72 : memref<128x32xf32, #tpu.memory_space<hbm>>)
    %dma_wait3A_77 = arith.constant 0 : i32
    %dma_wait3A_78 = arith.constant 0 : i32
    %dma_wait3A_79 = arith.constant 0 : i32
    %dma_wait3A_80 = arith.constant 0 : i32
    %dma_wait3A_81 = tpu.memref_slice %arg6[%dma_wait3A_77, %dma_wait3A_78, %dma_wait3A_79, %dma_wait3A_80] : memref<2x8x128x32xf32, #tpu.memory_space<vmem>> -> memref<1x1x128x32xf32, #tpu.memory_space<vmem>>
    %dma_wait3A_82 = tpu.memref_squeeze %dma_wait3A_81 : memref<1x1x128x32xf32, #tpu.memory_space<vmem>> -> memref<128x32xf32, #tpu.memory_space<vmem>>
    %dma_wait3A_83 = arith.constant 0 : i32
    %dma_wait3A_84 = tpu.memref_slice %arg4[%mul3A_2, %dma_wait3A_83] : memref<819200x32xf32, #tpu.memory_space<hbm>> -> memref<128x32xf32, #tpu.memory_space<hbm>>
    %dma_wait3A_85 = arith.constant 0 : i32
    %dma_wait3A_86 = tpu.memref_slice %arg4[%mul3A_2, %dma_wait3A_85] : memref<819200x32xf32, #tpu.memory_space<hbm>> -> memref<128x32xf32, #tpu.memory_space<hbm>>
    %dma_wait3A_87 = arith.constant 0 : i32
    %dma_wait3A_88 = arith.constant 0 : i32
    %dma_wait3A_89 = tpu.memref_slice %arg6[%dma_wait3A_77, %dma_wait3A_78, %dma_wait3A_87, %dma_wait3A_88] : memref<2x8x128x32xf32, #tpu.memory_space<vmem>> -> memref<1x1x128x32xf32, #tpu.memory_space<vmem>>
    %dma_wait3A_90 = tpu.memref_squeeze %dma_wait3A_89 : memref<1x1x128x32xf32, #tpu.memory_space<vmem>> -> memref<128x32xf32, #tpu.memory_space<vmem>>
    tpu.wait_dma2 semaphore(%arg8 : memref<!tpu.dma_semaphore, #tpu.memory_space<semaphore_mem>>) src(%dma_wait3A_90 : memref<128x32xf32, #tpu.memory_space<vmem>>) dst(%dma_wait3A_86 : memref<128x32xf32, #tpu.memory_space<hbm>>)
    %dma_wait3A_91 = arith.constant 0 : i32
    %dma_wait3A_92 = arith.constant 0 : i32
    %dma_wait3A_93 = arith.constant 0 : i32
    %dma_wait3A_94 = arith.constant 0 : i32
    %dma_wait3A_95 = tpu.memref_slice %arg6[%dma_wait3A_91, %dma_wait3A_92, %dma_wait3A_93, %dma_wait3A_94] : memref<2x8x128x32xf32, #tpu.memory_space<vmem>> -> memref<1x1x128x32xf32, #tpu.memory_space<vmem>>
    %dma_wait3A_96 = tpu.memref_squeeze %dma_wait3A_95 : memref<1x1x128x32xf32, #tpu.memory_space<vmem>> -> memref<128x32xf32, #tpu.memory_space<vmem>>
    %dma_wait3A_97 = arith.constant 0 : i32
    %dma_wait3A_98 = tpu.memref_slice %arg4[%mul3A_2, %dma_wait3A_97] : memref<819200x32xf32, #tpu.memory_space<hbm>> -> memref<128x32xf32, #tpu.memory_space<hbm>>
    %dma_wait3A_99 = arith.constant 0 : i32
    %dma_wait3A_100 = tpu.memref_slice %arg4[%mul3A_2, %dma_wait3A_99] : memref<819200x32xf32, #tpu.memory_space<hbm>> -> memref<128x32xf32, #tpu.memory_space<hbm>>
    %dma_wait3A_101 = arith.constant 0 : i32
    %dma_wait3A_102 = arith.constant 0 : i32
    %dma_wait3A_103 = tpu.memref_slice %arg6[%dma_wait3A_91, %dma_wait3A_92, %dma_wait3A_101, %dma_wait3A_102] : memref<2x8x128x32xf32, #tpu.memory_space<vmem>> -> memref<1x1x128x32xf32, #tpu.memory_space<vmem>>
    %dma_wait3A_104 = tpu.memref_squeeze %dma_wait3A_103 : memref<1x1x128x32xf32, #tpu.memory_space<vmem>> -> memref<128x32xf32, #tpu.memory_space<vmem>>
    tpu.wait_dma2 semaphore(%arg8 : memref<!tpu.dma_semaphore, #tpu.memory_space<semaphore_mem>>) src(%dma_wait3A_104 : memref<128x32xf32, #tpu.memory_space<vmem>>) dst(%dma_wait3A_100 : memref<128x32xf32, #tpu.memory_space<hbm>>)
    %dma_wait3A_105 = arith.constant 0 : i32
    %dma_wait3A_106 = arith.constant 0 : i32
    %dma_wait3A_107 = arith.constant 0 : i32
    %dma_wait3A_108 = arith.constant 0 : i32
    %dma_wait3A_109 = tpu.memref_slice %arg6[%dma_wait3A_105, %dma_wait3A_106, %dma_wait3A_107, %dma_wait3A_108] : memref<2x8x128x32xf32, #tpu.memory_space<vmem>> -> memref<1x1x128x32xf32, #tpu.memory_space<vmem>>
    %dma_wait3A_110 = tpu.memref_squeeze %dma_wait3A_109 : memref<1x1x128x32xf32, #tpu.memory_space<vmem>> -> memref<128x32xf32, #tpu.memory_space<vmem>>
    %dma_wait3A_111 = arith.constant 0 : i32
    %dma_wait3A_112 = tpu.memref_slice %arg4[%mul3A_2, %dma_wait3A_111] : memref<819200x32xf32, #tpu.memory_space<hbm>> -> memref<128x32xf32, #tpu.memory_space<hbm>>
    %dma_wait3A_113 = arith.constant 0 : i32
    %dma_wait3A_114 = tpu.memref_slice %arg4[%mul3A_2, %dma_wait3A_113] : memref<819200x32xf32, #tpu.memory_space<hbm>> -> memref<128x32xf32, #tpu.memory_space<hbm>>
    %dma_wait3A_115 = arith.constant 0 : i32
    %dma_wait3A_116 = arith.constant 0 : i32
    %dma_wait3A_117 = tpu.memref_slice %arg6[%dma_wait3A_105, %dma_wait3A_106, %dma_wait3A_115, %dma_wait3A_116] : memref<2x8x128x32xf32, #tpu.memory_space<vmem>> -> memref<1x1x128x32xf32, #tpu.memory_space<vmem>>
    %dma_wait3A_118 = tpu.memref_squeeze %dma_wait3A_117 : memref<1x1x128x32xf32, #tpu.memory_space<vmem>> -> memref<128x32xf32, #tpu.memory_space<vmem>>
    tpu.wait_dma2 semaphore(%arg8 : memref<!tpu.dma_semaphore, #tpu.memory_space<semaphore_mem>>) src(%dma_wait3A_118 : memref<128x32xf32, #tpu.memory_space<vmem>>) dst(%dma_wait3A_114 : memref<128x32xf32, #tpu.memory_space<hbm>>)
    %dma_wait3A_119 = arith.constant 0 : i32
    %dma_wait3A_120 = arith.constant 0 : i32
    %dma_wait3A_121 = arith.constant 0 : i32
    %dma_wait3A_122 = arith.constant 0 : i32
    %dma_wait3A_123 = tpu.memref_slice %arg6[%dma_wait3A_119, %dma_wait3A_120, %dma_wait3A_121, %dma_wait3A_122] : memref<2x8x128x32xf32, #tpu.memory_space<vmem>> -> memref<1x1x128x32xf32, #tpu.memory_space<vmem>>
    %dma_wait3A_124 = tpu.memref_squeeze %dma_wait3A_123 : memref<1x1x128x32xf32, #tpu.memory_space<vmem>> -> memref<128x32xf32, #tpu.memory_space<vmem>>
    %dma_wait3A_125 = arith.constant 0 : i32
    %dma_wait3A_126 = tpu.memref_slice %arg4[%mul3A_2, %dma_wait3A_125] : memref<819200x32xf32, #tpu.memory_space<hbm>> -> memref<128x32xf32, #tpu.memory_space<hbm>>
    %dma_wait3A_127 = arith.constant 0 : i32
    %dma_wait3A_128 = tpu.memref_slice %arg4[%mul3A_2, %dma_wait3A_127] : memref<819200x32xf32, #tpu.memory_space<hbm>> -> memref<128x32xf32, #tpu.memory_space<hbm>>
    %dma_wait3A_129 = arith.constant 0 : i32
    %dma_wait3A_130 = arith.constant 0 : i32
    %dma_wait3A_131 = tpu.memref_slice %arg6[%dma_wait3A_119, %dma_wait3A_120, %dma_wait3A_129, %dma_wait3A_130] : memref<2x8x128x32xf32, #tpu.memory_space<vmem>> -> memref<1x1x128x32xf32, #tpu.memory_space<vmem>>
    %dma_wait3A_132 = tpu.memref_squeeze %dma_wait3A_131 : memref<1x1x128x32xf32, #tpu.memory_space<vmem>> -> memref<128x32xf32, #tpu.memory_space<vmem>>
    tpu.wait_dma2 semaphore(%arg8 : memref<!tpu.dma_semaphore, #tpu.memory_space<semaphore_mem>>) src(%dma_wait3A_132 : memref<128x32xf32, #tpu.memory_space<vmem>>) dst(%dma_wait3A_128 : memref<128x32xf32, #tpu.memory_space<hbm>>)
    %dma_wait3A_133 = arith.constant 0 : i32
    %dma_wait3A_134 = arith.constant 0 : i32
    %dma_wait3A_135 = arith.constant 0 : i32
    %dma_wait3A_136 = arith.constant 0 : i32
    %dma_wait3A_137 = tpu.memref_slice %arg6[%dma_wait3A_133, %dma_wait3A_134, %dma_wait3A_135, %dma_wait3A_136] : memref<2x8x128x32xf32, #tpu.memory_space<vmem>> -> memref<1x1x128x32xf32, #tpu.memory_space<vmem>>
    %dma_wait3A_138 = tpu.memref_squeeze %dma_wait3A_137 : memref<1x1x128x32xf32, #tpu.memory_space<vmem>> -> memref<128x32xf32, #tpu.memory_space<vmem>>
    %dma_wait3A_139 = arith.constant 0 : i32
    %dma_wait3A_140 = tpu.memref_slice %arg4[%mul3A_2, %dma_wait3A_139] : memref<819200x32xf32, #tpu.memory_space<hbm>> -> memref<128x32xf32, #tpu.memory_space<hbm>>
    %dma_wait3A_141 = arith.constant 0 : i32
    %dma_wait3A_142 = tpu.memref_slice %arg4[%mul3A_2, %dma_wait3A_141] : memref<819200x32xf32, #tpu.memory_space<hbm>> -> memref<128x32xf32, #tpu.memory_space<hbm>>
    %dma_wait3A_143 = arith.constant 0 : i32
    %dma_wait3A_144 = arith.constant 0 : i32
    %dma_wait3A_145 = tpu.memref_slice %arg6[%dma_wait3A_133, %dma_wait3A_134, %dma_wait3A_143, %dma_wait3A_144] : memref<2x8x128x32xf32, #tpu.memory_space<vmem>> -> memref<1x1x128x32xf32, #tpu.memory_space<vmem>>
    %dma_wait3A_146 = tpu.memref_squeeze %dma_wait3A_145 : memref<1x1x128x32xf32, #tpu.memory_space<vmem>> -> memref<128x32xf32, #tpu.memory_space<vmem>>
    tpu.wait_dma2 semaphore(%arg8 : memref<!tpu.dma_semaphore, #tpu.memory_space<semaphore_mem>>) src(%dma_wait3A_146 : memref<128x32xf32, #tpu.memory_space<vmem>>) dst(%dma_wait3A_142 : memref<128x32xf32, #tpu.memory_space<hbm>>)
    %dma_wait3A_147 = arith.constant 0 : i32
    %dma_wait3A_148 = arith.constant 0 : i32
    %dma_wait3A_149 = arith.constant 0 : i32
    %dma_wait3A_150 = arith.constant 0 : i32
    %dma_wait3A_151 = tpu.memref_slice %arg6[%dma_wait3A_147, %dma_wait3A_148, %dma_wait3A_149, %dma_wait3A_150] : memref<2x8x128x32xf32, #tpu.memory_space<vmem>> -> memref<1x1x128x32xf32, #tpu.memory_space<vmem>>
    %dma_wait3A_152 = tpu.memref_squeeze %dma_wait3A_151 : memref<1x1x128x32xf32, #tpu.memory_space<vmem>> -> memref<128x32xf32, #tpu.memory_space<vmem>>
    %dma_wait3A_153 = arith.constant 0 : i32
    %dma_wait3A_154 = tpu.memref_slice %arg4[%mul3A_2, %dma_wait3A_153] : memref<819200x32xf32, #tpu.memory_space<hbm>> -> memref<128x32xf32, #tpu.memory_space<hbm>>
    %dma_wait3A_155 = arith.constant 0 : i32
    %dma_wait3A_156 = tpu.memref_slice %arg4[%mul3A_2, %dma_wait3A_155] : memref<819200x32xf32, #tpu.memory_space<hbm>> -> memref<128x32xf32, #tpu.memory_space<hbm>>
    %dma_wait3A_157 = arith.constant 0 : i32
    %dma_wait3A_158 = arith.constant 0 : i32
    %dma_wait3A_159 = tpu.memref_slice %arg6[%dma_wait3A_147, %dma_wait3A_148, %dma_wait3A_157, %dma_wait3A_158] : memref<2x8x128x32xf32, #tpu.memory_space<vmem>> -> memref<1x1x128x32xf32, #tpu.memory_space<vmem>>
    %dma_wait3A_160 = tpu.memref_squeeze %dma_wait3A_159 : memref<1x1x128x32xf32, #tpu.memory_space<vmem>> -> memref<128x32xf32, #tpu.memory_space<vmem>>
    tpu.wait_dma2 semaphore(%arg8 : memref<!tpu.dma_semaphore, #tpu.memory_space<semaphore_mem>>) src(%dma_wait3A_160 : memref<128x32xf32, #tpu.memory_space<vmem>>) dst(%dma_wait3A_156 : memref<128x32xf32, #tpu.memory_space<hbm>>)
    %dma_wait3A_161 = arith.constant 0 : i32
    %dma_wait3A_162 = arith.constant 0 : i32
    %dma_wait3A_163 = arith.constant 0 : i32
    %dma_wait3A_164 = arith.constant 0 : i32
    %dma_wait3A_165 = tpu.memref_slice %arg6[%dma_wait3A_161, %dma_wait3A_162, %dma_wait3A_163, %dma_wait3A_164] : memref<2x8x128x32xf32, #tpu.memory_space<vmem>> -> memref<1x1x128x32xf32, #tpu.memory_space<vmem>>
    %dma_wait3A_166 = tpu.memref_squeeze %dma_wait3A_165 : memref<1x1x128x32xf32, #tpu.memory_space<vmem>> -> memref<128x32xf32, #tpu.memory_space<vmem>>
    %dma_wait3A_167 = arith.constant 0 : i32
    %dma_wait3A_168 = tpu.memref_slice %arg4[%mul3A_2, %dma_wait3A_167] : memref<819200x32xf32, #tpu.memory_space<hbm>> -> memref<128x32xf32, #tpu.memory_space<hbm>>
    %dma_wait3A_169 = arith.constant 0 : i32
    %dma_wait3A_170 = tpu.memref_slice %arg4[%mul3A_2, %dma_wait3A_169] : memref<819200x32xf32, #tpu.memory_space<hbm>> -> memref<128x32xf32, #tpu.memory_space<hbm>>
    %dma_wait3A_171 = arith.constant 0 : i32
    %dma_wait3A_172 = arith.constant 0 : i32
    %dma_wait3A_173 = tpu.memref_slice %arg6[%dma_wait3A_161, %dma_wait3A_162, %dma_wait3A_171, %dma_wait3A_172] : memref<2x8x128x32xf32, #tpu.memory_space<vmem>> -> memref<1x1x128x32xf32, #tpu.memory_space<vmem>>
    %dma_wait3A_174 = tpu.memref_squeeze %dma_wait3A_173 : memref<1x1x128x32xf32, #tpu.memory_space<vmem>> -> memref<128x32xf32, #tpu.memory_space<vmem>>
    tpu.wait_dma2 semaphore(%arg8 : memref<!tpu.dma_semaphore, #tpu.memory_space<semaphore_mem>>) src(%dma_wait3A_174 : memref<128x32xf32, #tpu.memory_space<vmem>>) dst(%dma_wait3A_170 : memref<128x32xf32, #tpu.memory_space<hbm>>)
    %dma_wait3A_175 = arith.constant 0 : i32
    %dma_wait3A_176 = arith.constant 0 : i32
    %dma_wait3A_177 = arith.constant 0 : i32
    %dma_wait3A_178 = arith.constant 0 : i32
    %dma_wait3A_179 = tpu.memref_slice %arg6[%dma_wait3A_175, %dma_wait3A_176, %dma_wait3A_177, %dma_wait3A_178] : memref<2x8x128x32xf32, #tpu.memory_space<vmem>> -> memref<1x1x128x32xf32, #tpu.memory_space<vmem>>
    %dma_wait3A_180 = tpu.memref_squeeze %dma_wait3A_179 : memref<1x1x128x32xf32, #tpu.memory_space<vmem>> -> memref<128x32xf32, #tpu.memory_space<vmem>>
    %dma_wait3A_181 = arith.constant 0 : i32
    %dma_wait3A_182 = tpu.memref_slice %arg4[%mul3A_2, %dma_wait3A_181] : memref<819200x32xf32, #tpu.memory_space<hbm>> -> memref<128x32xf32, #tpu.memory_space<hbm>>
    %dma_wait3A_183 = arith.constant 0 : i32
    %dma_wait3A_184 = tpu.memref_slice %arg4[%mul3A_2, %dma_wait3A_183] : memref<819200x32xf32, #tpu.memory_space<hbm>> -> memref<128x32xf32, #tpu.memory_space<hbm>>
    %dma_wait3A_185 = arith.constant 0 : i32
    %dma_wait3A_186 = arith.constant 0 : i32
    %dma_wait3A_187 = tpu.memref_slice %arg6[%dma_wait3A_175, %dma_wait3A_176, %dma_wait3A_185, %dma_wait3A_186] : memref<2x8x128x32xf32, #tpu.memory_space<vmem>> -> memref<1x1x128x32xf32, #tpu.memory_space<vmem>>
    %dma_wait3A_188 = tpu.memref_squeeze %dma_wait3A_187 : memref<1x1x128x32xf32, #tpu.memory_space<vmem>> -> memref<128x32xf32, #tpu.memory_space<vmem>>
    tpu.wait_dma2 semaphore(%arg8 : memref<!tpu.dma_semaphore, #tpu.memory_space<semaphore_mem>>) src(%dma_wait3A_188 : memref<128x32xf32, #tpu.memory_space<vmem>>) dst(%dma_wait3A_184 : memref<128x32xf32, #tpu.memory_space<hbm>>)
    %dma_wait3A_189 = arith.constant 0 : i32
    %dma_wait3A_190 = arith.constant 0 : i32
    %dma_wait3A_191 = arith.constant 0 : i32
    %dma_wait3A_192 = arith.constant 0 : i32
    %dma_wait3A_193 = tpu.memref_slice %arg6[%dma_wait3A_189, %dma_wait3A_190, %dma_wait3A_191, %dma_wait3A_192] : memref<2x8x128x32xf32, #tpu.memory_space<vmem>> -> memref<1x1x128x32xf32, #tpu.memory_space<vmem>>
    %dma_wait3A_194 = tpu.memref_squeeze %dma_wait3A_193 : memref<1x1x128x32xf32, #tpu.memory_space<vmem>> -> memref<128x32xf32, #tpu.memory_space<vmem>>
    %dma_wait3A_195 = arith.constant 0 : i32
    %dma_wait3A_196 = tpu.memref_slice %arg4[%mul3A_2, %dma_wait3A_195] : memref<819200x32xf32, #tpu.memory_space<hbm>> -> memref<128x32xf32, #tpu.memory_space<hbm>>
    %dma_wait3A_197 = arith.constant 0 : i32
    %dma_wait3A_198 = tpu.memref_slice %arg4[%mul3A_2, %dma_wait3A_197] : memref<819200x32xf32, #tpu.memory_space<hbm>> -> memref<128x32xf32, #tpu.memory_space<hbm>>
    %dma_wait3A_199 = arith.constant 0 : i32
    %dma_wait3A_200 = arith.constant 0 : i32
    %dma_wait3A_201 = tpu.memref_slice %arg6[%dma_wait3A_189, %dma_wait3A_190, %dma_wait3A_199, %dma_wait3A_200] : memref<2x8x128x32xf32, #tpu.memory_space<vmem>> -> memref<1x1x128x32xf32, #tpu.memory_space<vmem>>
    %dma_wait3A_202 = tpu.memref_squeeze %dma_wait3A_201 : memref<1x1x128x32xf32, #tpu.memory_space<vmem>> -> memref<128x32xf32, #tpu.memory_space<vmem>>
    tpu.wait_dma2 semaphore(%arg8 : memref<!tpu.dma_semaphore, #tpu.memory_space<semaphore_mem>>) src(%dma_wait3A_202 : memref<128x32xf32, #tpu.memory_space<vmem>>) dst(%dma_wait3A_198 : memref<128x32xf32, #tpu.memory_space<hbm>>)
    %dma_wait3A_203 = arith.constant 0 : i32
    %dma_wait3A_204 = arith.constant 0 : i32
    %dma_wait3A_205 = arith.constant 0 : i32
    %dma_wait3A_206 = arith.constant 0 : i32
    %dma_wait3A_207 = tpu.memref_slice %arg6[%dma_wait3A_203, %dma_wait3A_204, %dma_wait3A_205, %dma_wait3A_206] : memref<2x8x128x32xf32, #tpu.memory_space<vmem>> -> memref<1x1x128x32xf32, #tpu.memory_space<vmem>>
    %dma_wait3A_208 = tpu.memref_squeeze %dma_wait3A_207 : memref<1x1x128x32xf32, #tpu.memory_space<vmem>> -> memref<128x32xf32, #tpu.memory_space<vmem>>
    %dma_wait3A_209 = arith.constant 0 : i32
    %dma_wait3A_210 = tpu.memref_slice %arg4[%mul3A_2, %dma_wait3A_209] : memref<819200x32xf32, #tpu.memory_space<hbm>> -> memref<128x32xf32, #tpu.memory_space<hbm>>
    %dma_wait3A_211 = arith.constant 0 : i32
    %dma_wait3A_212 = tpu.memref_slice %arg4[%mul3A_2, %dma_wait3A_211] : memref<819200x32xf32, #tpu.memory_space<hbm>> -> memref<128x32xf32, #tpu.memory_space<hbm>>
    %dma_wait3A_213 = arith.constant 0 : i32
    %dma_wait3A_214 = arith.constant 0 : i32
    %dma_wait3A_215 = tpu.memref_slice %arg6[%dma_wait3A_203, %dma_wait3A_204, %dma_wait3A_213, %dma_wait3A_214] : memref<2x8x128x32xf32, #tpu.memory_space<vmem>> -> memref<1x1x128x32xf32, #tpu.memory_space<vmem>>
    %dma_wait3A_216 = tpu.memref_squeeze %dma_wait3A_215 : memref<1x1x128x32xf32, #tpu.memory_space<vmem>> -> memref<128x32xf32, #tpu.memory_space<vmem>>
    tpu.wait_dma2 semaphore(%arg8 : memref<!tpu.dma_semaphore, #tpu.memory_space<semaphore_mem>>) src(%dma_wait3A_216 : memref<128x32xf32, #tpu.memory_space<vmem>>) dst(%dma_wait3A_212 : memref<128x32xf32, #tpu.memory_space<hbm>>)
    %dma_wait3A_217 = arith.constant 0 : i32
    %dma_wait3A_218 = arith.constant 0 : i32
    %dma_wait3A_219 = arith.constant 0 : i32
    %dma_wait3A_220 = arith.constant 0 : i32
    %dma_wait3A_221 = tpu.memref_slice %arg6[%dma_wait3A_217, %dma_wait3A_218, %dma_wait3A_219, %dma_wait3A_220] : memref<2x8x128x32xf32, #tpu.memory_space<vmem>> -> memref<1x1x128x32xf32, #tpu.memory_space<vmem>>
    %dma_wait3A_222 = tpu.memref_squeeze %dma_wait3A_221 : memref<1x1x128x32xf32, #tpu.memory_space<vmem>> -> memref<128x32xf32, #tpu.memory_space<vmem>>
    %dma_wait3A_223 = arith.constant 0 : i32
    %dma_wait3A_224 = tpu.memref_slice %arg4[%mul3A_2, %dma_wait3A_223] : memref<819200x32xf32, #tpu.memory_space<hbm>> -> memref<128x32xf32, #tpu.memory_space<hbm>>
    %dma_wait3A_225 = arith.constant 0 : i32
    %dma_wait3A_226 = tpu.memref_slice %arg4[%mul3A_2, %dma_wait3A_225] : memref<819200x32xf32, #tpu.memory_space<hbm>> -> memref<128x32xf32, #tpu.memory_space<hbm>>
    %dma_wait3A_227 = arith.constant 0 : i32
    %dma_wait3A_228 = arith.constant 0 : i32
    %dma_wait3A_229 = tpu.memref_slice %arg6[%dma_wait3A_217, %dma_wait3A_218, %dma_wait3A_227, %dma_wait3A_228] : memref<2x8x128x32xf32, #tpu.memory_space<vmem>> -> memref<1x1x128x32xf32, #tpu.memory_space<vmem>>
    %dma_wait3A_230 = tpu.memref_squeeze %dma_wait3A_229 : memref<1x1x128x32xf32, #tpu.memory_space<vmem>> -> memref<128x32xf32, #tpu.memory_space<vmem>>
    tpu.wait_dma2 semaphore(%arg8 : memref<!tpu.dma_semaphore, #tpu.memory_space<semaphore_mem>>) src(%dma_wait3A_230 : memref<128x32xf32, #tpu.memory_space<vmem>>) dst(%dma_wait3A_226 : memref<128x32xf32, #tpu.memory_space<hbm>>)
    return
  }
}

</mosaic_0001>

<sc_bundles>
// kernel: kernel.3.cloned.1.call-start
scs
__scs_entry_jumppad:
0x0: {  	(pc) =	sbr.rel $0x88, $3  }
0x1: {  	(tag) =	ssettag $0x0;
	lr =	simm.s32 $0x1  }
0x2: {  	[smem:$0x3F9F] =	sst lr;
	_ =	strace $0xD0000000  }
0x3: {  	_ = 	snop  }
0x4: {  	_ = 	snop  }
0x5: {  	_ = 	snop  }
0x6: {  	_ = 	snop  }
0x7: {  	_ = 	snop  }
__scs_overlays_trampoline_lowered:
0x8: {  	[smem:$0x3FAE] =	sst s0  }
0x9: {  	[smem:$0x3FAF] =	sst s1  }
0xa: {  	[smem:$0x3FB0] =	sst s2  }
0xb: {  	[smem:$0x3FB1] =	sst s3  }
0xc: {  	[smem:$0x3FB2] =	sst s4  }
0xd: {  	[smem:$0x3FB3] =	sst s5  }
0xe: {  	[smem:$0x3FB4] =	sst s6  }
0xf: {  	[smem:$0x3FB5] =	sst s7  }
0x10: {  	[smem:$0x3FB6] =	sst s8  }
0x11: {  	[smem:$0x3FB7] =	sst s9;
	s0 =	simm.s32 @!p0 $0x0  }
0x12: {  	s1 =	sld [smem:$0x3F9D];
	s0 =	simm.s32 @p0 $0x1  }
0x13: {  	[smem:$0x3FB8] =	sst s0;
	s0 =	simm.s32 @!p1 $0x0  }
0x14: {  	s2 =	sld [smem:$0x3F9C];
	s0 =	simm.s32 @p1 $0x1  }
0x15: {  	[smem:$0x3FB9] =	sst s0;
	s0 =	simm.s32 @!p2 $0x0  }
0x16: {  	s3 =	sld [smem:$0x3FDB];
	s0 =	simm.s32 @p2 $0x1  }
0x17: {  	s4 =	simm.s32 $0x1BF5;
	[smem:$0x3FBB] =	sst s0  }
0x18: {  	s0 =	sld [smem:$0x3F9E];
	_ =	swait.ge [sflag:s4], $0x0  }
0x19: {  	s7 =	sld [smem:$0x3F9F]  }
0x1a: {  	s8 =	sadd.s32 $0xFFFFE003, lr  }
0x1b: {  	s9 =	sadd.s32 $0xFFFFFEF7, lr;
	s5 =	simm.s32 $0xFFFFFFFF;
	p2 =	slt.u32 s8, $0xFFFFF086  }
0x1c: {  	p1 =	slt.u32 s9, $0xF7A;
	s5 =	simm.s32 @!p2 $0x0  }
0x1d: {  	s5 =	simm.s32 @p1 $0x1;
	p0 =	seq.s32 s7, s2  }
0x1e: {  	s7 =	smul.u32 @!p0 $0xF7A, s2;
	p2 =	seq.s32 @!p0 s5, $0x0  }
0x1f: {  	s9 =	smul.u32 $0xF7A, s1;
	s8 =	simm.s32 @!p0 $0x1BF5;
	p2 =	por !p2, p0  }
0x20: {  	[sflag:s8] =	ssyncset.s32 @!p0 $0xFFFFF086;
	s6 =	sadd.s32 @!p0 s3, s7;
	s7 =	simm.s32 @!p0 $0x108  }
0x21: {  	s3 =	sadd.s32 s3, s9;
	s6 =	sadd.s32 @!p0 $0x88, s6;
	s7 =	simm.s32 @p2 $0x1082  }
0x22: {  	[simem:s7], [sflag:s8] =	dma.local @!p0 [hbm:s6], $0xF7A  }
0x23: {  	s9 =	sor.u32 $0xD0000000, s2;
	s6 =	simm.s32 $0x108;
	_ =	swait.ge @!p0 [sflag:s8], $0x0  }
0x24: {  	s3 =	sadd.s32 $0x88, s3;
	s6 =	simm.s32 @!p1 $0x1082;
	[sflag:s4] =	ssyncset.s32 $0xFFFFF086  }
0x25: {  	[simem:s6], [sflag:s4] =	dma.local [hbm:s3], $0xF7A  }
0x26: {  	[smem:$0x3F9F] =	sst s1;
	(tag) =	ssettag s2;
	_ =	strace s9  }
0x27: {  	s1 =	sld [smem:$0x3FAF]  }
0x28: {  	s2 =	sld [smem:$0x3FB0]  }
0x29: {  	s4 =	sld [smem:$0x3FB2]  }
0x2a: {  	p0 =	seq.s32 s5, $0x0;
	s5 =	sld [smem:$0x3FB3]  }
0x2b: {  	s6 =	sld [smem:$0x3FB4]  }
0x2c: {  	s7 =	sld [smem:$0x3FB5]  }
0x2d: {  	s3 =	simm.s32 $0x108;
	s8 =	sld [smem:$0x3FB6]  }
0x2e: {  	s3 =	simm.s32 @!p0 $0x1082;
	s9 =	sld [smem:$0x3FB7]  }
0x2f: {  	lr =	sadd.s32 s0, s3;
	s0 =	sld [smem:$0x3FAE]  }
0x30: {  	s3 =	sld [smem:$0x3FB1]  }
0x31: {  	[smem:$0x3FBA] =	sst s10  }
0x32: {  	s10 =	sld [smem:$0x3FB8];
	_ =	sdelay $0x3  }
0x33: {  	p0 =	seq.s32 s10, $0x1;
	s10 =	sld [smem:$0x3FBA];
	_ =	sdelay $0x3  }
0x34: {  	[smem:$0x3FBA] =	sst s10  }
0x35: {  	s10 =	sld [smem:$0x3FB9];
	_ =	sdelay $0x3  }
0x36: {  	p1 =	seq.s32 s10, $0x1;
	s10 =	sld [smem:$0x3FBA];
	_ =	sdelay $0x3  }
0x37: {  	[smem:$0x3FBA] =	sst s10  }
0x38: {  	s10 =	sld [smem:$0x3FBB]  }
0x39: {  	_ = 	snop;
	(pc) =	sbr.ind lr, $3  }
0x3a: {  	_ = 	snop  }
0x3b: {  	_ = 	snop  }
0x3c: {  	p2 =	seq.s32 s10, $0x1;
	s10 =	sld [smem:$0x3FBA]  }
0x3d: {  	_ =	shalt  }
0x3e: {  	_ =	shalt  }
0x3f: {  	_ =	shalt  }
0x40: {  	_ =	shalt  }
0x41: {  	_ =	shalt  }
0x42: {  	_ =	shalt  }
0x43: {  	_ =	shalt  }
0x44: {  	_ =	shalt  }
0x45: {  	_ =	shalt  }
0x46: {  	_ =	shalt  }
0x47: {  	_ =	shalt  }
0x48: {  	_ =	shalt  }
0x49: {  	_ =	shalt  }
0x4a: {  	_ =	shalt  }
0x4b: {  	_ =	shalt  }
0x4c: {  	_ =	shalt  }
0x4d: {  	_ =	shalt  }
0x4e: {  	_ =	shalt  }
0x4f: {  	_ =	shalt  }
0x50: {  	_ =	shalt  }
0x51: {  	_ =	shalt  }
0x52: {  	_ =	shalt  }
0x53: {  	_ =	shalt  }
0x54: {  	_ =	shalt  }
0x55: {  	_ =	shalt  }
0x56: {  	_ =	shalt  }
0x57: {  	_ =	shalt  }
0x58: {  	_ =	shalt  }
0x59: {  	_ =	shalt  }
0x5a: {  	_ =	shalt  }
0x5b: {  	_ =	shalt  }
0x5c: {  	_ =	shalt  }
0x5d: {  	_ =	shalt  }
0x5e: {  	_ =	shalt  }
0x5f: {  	_ =	shalt  }
0x60: {  	_ =	shalt  }
0x61: {  	_ =	shalt  }
0x62: {  	_ =	shalt  }
0x63: {  	_ =	shalt  }
0x64: {  	_ =	shalt  }
0x65: {  	_ =	shalt  }
0x66: {  	_ =	shalt  }
0x67: {  	_ =	shalt  }
0x68: {  	_ =	shalt  }
0x69: {  	_ =	shalt  }
0x6a: {  	_ =	shalt  }
0x6b: {  	_ =	shalt  }
0x6c: {  	_ =	shalt  }
0x6d: {  	_ =	shalt  }
0x6e: {  	_ =	shalt  }
0x6f: {  	_ =	shalt  }
0x70: {  	_ =	shalt  }
0x71: {  	_ =	shalt  }
0x72: {  	_ =	shalt  }
0x73: {  	_ =	shalt  }
0x74: {  	_ =	shalt  }
0x75: {  	_ =	shalt  }
0x76: {  	_ =	shalt  }
0x77: {  	_ =	shalt  }
0x78: {  	_ =	shalt  }
0x79: {  	_ =	shalt  }
0x7a: {  	_ =	shalt  }
0x7b: {  	_ =	shalt  }
0x7c: {  	_ =	shalt  }
0x7d: {  	_ =	shalt  }
0x7e: {  	_ =	shalt  }
0x7f: {  	_ =	shalt  }
0x80: {  	_ =	shalt  }
0x81: {  	_ =	shalt  }
0x82: {  	_ =	shalt  }
0x83: {  	_ =	shalt  }
0x84: {  	_ =	shalt  }
0x85: {  	_ =	shalt  }
0x86: {  	_ =	shalt  }
0x87: {  	_ =	shalt  }
.Lfunc_end0:
.L_simem_size_0:
called_computation.1_lowered:
.L_overlay_start_0:
0x88: {  	s2 =	sld [smem:$0x3FD9]  }
0x89: {  	s3 =	sld [smem:$0x3FFE];
	_ =	sdelay $0x1  }
0x8a: {  	s1 =	srdreg.scid  }
0x8b: {  	s0 =	sand.u32 $0x1, s1  }
0x8c: {  	s17 =	sshll.u32 s0, $0xA;
	s2 =	sadd.s32 s3, s2  }
0x8d: {  	s2 =	sadd.s32 s2, s17  }
0x8e: {  	[smem:$0x3FC6] =	sst s2  }
0x8f: {  	_ = 	snop  }
0x90: {  	s2 =	sld [smem:$0x3FD0];
	(tm) =	ssettm $0x1  }
0x91: {  	s18 =	sld [smem:$0x3FFB];
	_ =	sdelay $0x3  }
0x92: {  	_ =	strace s18  }
0x93: {  	s3 =	sld [smem:$0x3FFC];
	_ =	sdelay $0x3  }
0x94: {  	_ =	strace s3  }
0x95: {  	s3 =	sld [smem:$0x3FFD];
	_ =	sdelay $0x3  }
0x96: {  	_ =	strace s3  }
0x97: {  	_ =	strace $0x8FFFFFFF  }
0x98: {  	s19 =	sld [smem:$0x3FDB];
	_ =	sdelay $0x1  }
0x99: {  	s4 =	simm.s32 $_scs_section_size  }
0x9a: {  	s5 =	simm.s32 $_size__tile_overlayer_lowered;
	s6 =	simm.s32 $_tile_overlayer_lowered  }
0x9b: {  	s22 =	simm.s32 $0x1BFF;
	s21 =	sshll.u32 s6, $0x1;
	s3 =	sadd.s32 s4, s19  }
0x9c: {  	s7 =	simm.s32 $0x0;
	s20 =	sshll.u32 s5, $0x1;
	s5 =	sadd.s32 s21, s3  }
0x9d: {  	[timem:s7], [sflag:s22] =	dma.local [hbm:s5], s20  }
0x9e: {  	_ =	swait.ge [sflag:s22], s20  }
0x9f: {  	s4 =	ssub.s32 $0x0, s20;
	[sflag:s22] =	ssyncset.done $0x0  }
0xa0: {  	[sflag:s22] =	ssyncadd.s32 s4;
	_ =	sdelay $0x1  }
0xa1: {  	s23 =	simm.s32 $0x1B8B  }
0xa2: {  	_ =	swait.ge [sflag:s23], $0x1  }
0xa3: {  	[sflag:s23] =	ssyncset.done $0x0  }
0xa4: {  	s25 =	simm.s32 $0x1B8E;
	s24 =	sld [smem:$0x3FFE];
	[sflag:s23] =	ssyncadd.s32 $0xFFFFFFFF  }
0xa5: {  	s26 =	simm.s32 $execute0_lowered;
	[smem:$0x3FD2] =	sst s25  }
0xa6: {  	s5 =	sshll.u32 s26, $0x1;
	_ =	strace $0x80000046;
	[dreg:$0x1] =	wrdreg $0xFFFFFFFF  }
0xa7: {  	s28 =	simm.s32 $_size_execute0_lowered;
	s3 =	sadd.s32 s3, s5;
	[dreg:$0x0] =	wrdreg $0x0  }
0xa8: {  	s5 =	sshll.u32 s28, $0x1;
	[dreg:$0x2] =	wrdreg s3  }
0xa9: {  	[dreg:$0x3] =	wrdreg s5  }
0xaa: {  	[dreg:$0x4] =	wrdreg $0xC0  }
0xab: {  	_ =	task [dreg:s7], $0x5FFFF  }
0xac: {  	[dreg:$0x1] =	wrdreg $0xFFFFFFFF  }
0xad: {  	[dreg:$0x0] =	wrdreg $0x60  }
0xae: {  	[dreg:$0x2] =	wrdreg s24  }
0xaf: {  	[dreg:$0x3] =	wrdreg s2  }
0xb0: {  	[dreg:$0x4] =	wrdreg $0x9  }
0xb1: {  	_ =	task.clear_ibuf [dreg:s7], $0x5FFFF;
	_ =	strace $0x90000046  }
0xb2: {  	s29 =	simm.s32 $0x9;
	_ =	strace $0x80000048  }
0xb3: {  	_ =	swait.ge [sflag:s29], $0x1  }
0xb4: {  	[sflag:s29] =	ssyncadd.s32 $0xFFFFFFFF  }
0xb5: {  	_ =	strace $0x90000048  }
0xb6: {  	_ =	sfence  }
0xb7: {  	s30 =	sld [smem:$0x0];
	_ =	sdelay $0x2  }
0xb8: {  	s31 =	sshll.u32 s1, $0xD;
	s1 =	sshrl.u32 s1, $0x2  }
0xb9: {  	s3 =	sand.u32 $0x4000, s31;
	s1 =	sadd.s32 s1, s30  }
0xba: {  	s0 =	sor.u32 s3, s0;
	s1 =	sshll.u32 s1, $0x11  }
0xbb: {  	s0 =	sor.u32 s1, s0  }
0xbc: {  	s0 =	sadd.s32 $0x8F2B, s0  }
0xbd: {  	[sflag:s0] =	ssyncadd.remote.s32 $0x1  }
0xbe: {  	_ =	sfence.sel $0xFFFF  }
0xbf: {  	[dreg:$0x0] =	wrdreg $0xFFFFFFFF;
	(pc) =	sbr.abs _section_cstart, $3  }
0xc0: {  	[dreg:$0x1] =	wrdreg $0xFFFFFFFF  }
0xc1: {  	_ =	task.clear_ibuf [dreg:s7], $0x2FFFF;
	_ =	strace $0x9FFFFFFF  }
0xc2: {  	(tm) =	ssettm $0x7FFFFFFF  }
0xc3: {  	_ =	shalt  }
tec
execute0_lowered:
.L_overlay_start_1:
0x0: {  	(tag) =	ssettag $0x1  }
0x1: {  	s3 =	rddreg [dreg:$0x0];
	s1 =	srdreg.scid  }
0x2: {  	s0 =	stileid.u32;
	s4 =	rddreg [dreg:$0x1];
	s2 =	simm.s32 $0x0  }
0x3: {  	s5 =	sand.u32 $0x1, s1;
	s6 =	sshll.u32 s0, $0x1;
	s1 =	rddreg [dreg:$0x2]  }
0x4: {  	[smem:$0x7FF] =	sst s2;
	s8 =	smul.u32 $0x32000, s0;
	s6 =	sor.u32 s5, s6  }
0x5: {  	_ =	strace $0x80000047;
	s7 =	ssub.s32 $0x2, s5;
	s10 =	smul.u32 $0x19000, s5  }
0x6: {  	s6 =	smul.u32 $0xC80, s6;
	s9 =	sshrl.u32 s7, $0x1;
	s30 =	sadd.s32 s8, s4  }
0x7: {  	s8 =	simm.s32 $0x1;
	s29 =	ssub.s32 s7, s9;
	s31 =	sadd.s32 s10, s30  }
0x8: {  	s7 =	simm.s32 $0x80;
	s9 =	simm.s32 $0x2;
	s10 =	simm.s32 $0x0  }
0x9: {  	s6 =	sadd.s32 s6, s3;
	s3 =	sadd.s32 $0xF42E00, s3;
	s5 =	smax.u32 s29, $0x1  }
0xa: {  	[dreg:$0x3] =	wrdreg s31;
	s4 =	sadd.s32 $0xA00, s6;
	s6 =	simm.s32 $0x3  }
.LBB2_1:
0xb: {  	[tilespmem:s2], [sflag:$0x3] =	stream.linear.gather [hbm4b:s4+s2], $0x6400, $0x38;
	[tilespmem:$0x16400] =	vst v63  }
0xc: {  	p0 =	por $0x1, $0x1;
	_ =	swait.ge [sflag:s6], $0x6400  }
0xd: {  	p0 =	por p0, p0;
	[sflag:s6] =	ssyncset.done $0x0  }
0xe: {  	s11 =	simm.s32 @!p0 $0x2;
	[sflag:s6] =	ssyncadd.s32 $0xFFFF9C00  }
0xf: {  	_ =	swait.ge @!p0 [sflag:s11], $0x1000  }
0x10: {  	[sflag:s11] =	ssyncset.done @!p0 $0x0  }
0x11: {  	[sflag:s11] =	ssyncadd.s32 @!p0 $0xFFFFF000  }
0x12: {  	_ =	swait.ge @!p0 [sflag:s11], $0x1000  }
0x13: {  	[sflag:s11] =	ssyncset.done @!p0 $0x0  }
0x14: {  	[sflag:s11] =	ssyncadd.s32 @!p0 $0xFFFFF000  }
0x15: {  	_ =	swait.ge @!p0 [sflag:s11], $0x1000  }
0x16: {  	[sflag:s11] =	ssyncset.done @!p0 $0x0  }
0x17: {  	[sflag:s11] =	ssyncadd.s32 @!p0 $0xFFFFF000  }
0x18: {  	_ =	swait.ge @!p0 [sflag:s11], $0x1000  }
0x19: {  	[sflag:s11] =	ssyncset.done @!p0 $0x0  }
0x1a: {  	[sflag:s11] =	ssyncadd.s32 @!p0 $0xFFFFF000  }
0x1b: {  	_ =	swait.ge @!p0 [sflag:s11], $0x1000  }
0x1c: {  	[sflag:s11] =	ssyncset.done @!p0 $0x0  }
0x1d: {  	[sflag:s11] =	ssyncadd.s32 @!p0 $0xFFFFF000  }
0x1e: {  	_ =	swait.ge @!p0 [sflag:s11], $0x1000  }
0x1f: {  	[sflag:s11] =	ssyncset.done @!p0 $0x0  }
0x20: {  	[sflag:s11] =	ssyncadd.s32 @!p0 $0xFFFFF000  }
0x21: {  	_ =	swait.ge @!p0 [sflag:s11], $0x1000  }
0x22: {  	[sflag:s11] =	ssyncset.done @!p0 $0x0  }
0x23: {  	[sflag:s11] =	ssyncadd.s32 @!p0 $0xFFFFF000  }
0x24: {  	_ =	swait.ge @!p0 [sflag:s11], $0x1000  }
0x25: {  	s12 =	sand.u32 $0x8000, s2;
	[sflag:s11] =	ssyncset.done @!p0 $0x0  }
0x26: {  	s13 =	simm.s32 $0x0;
	s28 =	sor.u32 $0x6400, s12;
	[sflag:s11] =	ssyncadd.s32 @!p0 $0xFFFFF000  }
0x27: {  	[tilespmem:s28], [sflag:$0x1] =	stream.indirect.gather [hbm4b:s3+s7], $0x20, s13, s7, $0xb8;
	[tilespmem:$0x16400] =	vst v63  }
0x28: {  	s14 =	simm.s32 $0x80;
	s29 =	sor.u32 $0x7400, s12  }
0x29: {  	[tilespmem:s29], [sflag:$0x1] =	stream.indirect.gather [hbm4b:s3+s7], $0x20, s14, s7, $0xb8;
	[tilespmem:$0x16400] =	vst v63  }
0x2a: {  	s15 =	simm.s32 $0x100;
	s30 =	sadd.s32 $0x8400, s12  }
0x2b: {  	[tilespmem:s30], [sflag:$0x1] =	stream.indirect.gather [hbm4b:s3+s7], $0x20, s15, s7, $0xb8;
	[tilespmem:$0x16400] =	vst v63  }
0x2c: {  	s16 =	simm.s32 $0x180;
	s31 =	sadd.s32 $0x9400, s12  }
0x2d: {  	[tilespmem:s31], [sflag:$0x1] =	stream.indirect.gather [hbm4b:s3+s7], $0x20, s16, s7, $0xb8;
	[tilespmem:$0x16400] =	vst v63  }
0x2e: {  	s20 =	simm.s32 $0x200;
	s17 =	sadd.s32 $0xA400, s12  }
0x2f: {  	[tilespmem:s17], [sflag:$0x1] =	stream.indirect.gather [hbm4b:s3+s7], $0x20, s20, s7, $0xb8;
	[tilespmem:$0x16400] =	vst v63  }
0x30: {  	s21 =	simm.s32 $0x280;
	s18 =	sadd.s32 $0xB400, s12  }
0x31: {  	[tilespmem:s18], [sflag:$0x1] =	stream.indirect.gather [hbm4b:s3+s7], $0x20, s21, s7, $0xb8;
	[tilespmem:$0x16400] =	vst v63  }
0x32: {  	s22 =	simm.s32 $0x300;
	s19 =	sadd.s32 $0xC400, s12  }
0x33: {  	[tilespmem:s19], [sflag:$0x1] =	stream.indirect.gather [hbm4b:s3+s7], $0x20, s22, s7, $0xb8;
	[tilespmem:$0x16400] =	vst v63  }
0x34: {  	s23 =	simm.s32 $0x380;
	s16 =	sadd.s32 $0xD400, s12  }
0x35: {  	[tilespmem:s16], [sflag:$0x1] =	stream.indirect.gather [hbm4b:s3+s7], $0x20, s23, s7, $0xb8;
	[tilespmem:$0x16400] =	vst v63  }
0x36: {  	_ =	swait.ge [sflag:s8], $0x1000  }
0x37: {  	[sflag:s8] =	ssyncset.done $0x0  }
0x38: {  	[sflag:s8] =	ssyncadd.s32 $0xFFFFF000  }
0x39: {  	_ =	swait.ge [sflag:s8], $0x1000  }
0x3a: {  	[sflag:s8] =	ssyncset.done $0x0  }
0x3b: {  	[sflag:s8] =	ssyncadd.s32 $0xFFFFF000  }
0x3c: {  	_ =	swait.ge [sflag:s8], $0x1000  }
0x3d: {  	[sflag:s8] =	ssyncset.done $0x0  }
0x3e: {  	[sflag:s8] =	ssyncadd.s32 $0xFFFFF000  }
0x3f: {  	_ =	swait.ge [sflag:s8], $0x1000  }
0x40: {  	[sflag:s8] =	ssyncset.done $0x0  }
0x41: {  	[sflag:s8] =	ssyncadd.s32 $0xFFFFF000  }
0x42: {  	_ =	swait.ge [sflag:s8], $0x1000  }
0x43: {  	[sflag:s8] =	ssyncset.done $0x0  }
0x44: {  	[sflag:s8] =	ssyncadd.s32 $0xFFFFF000  }
0x45: {  	_ =	swait.ge [sflag:s8], $0x1000  }
0x46: {  	[sflag:s8] =	ssyncset.done $0x0  }
0x47: {  	[sflag:s8] =	ssyncadd.s32 $0xFFFFF000  }
0x48: {  	_ =	swait.ge [sflag:s8], $0x1000  }
0x49: {  	[sflag:s8] =	ssyncset.done $0x0  }
0x4a: {  	[sflag:s8] =	ssyncadd.s32 $0xFFFFF000  }
0x4b: {  	_ =	swait.ge [sflag:s8], $0x1000  }
0x4c: {  	s24 =	rddreg [dreg:$0x3];
	[sflag:s8] =	ssyncset.done $0x0  }
0x4d: {  	[sflag:s8] =	ssyncadd.s32 $0xFFFFF000;
	s12 =	sadd.s32 $0x0, s24  }
0x4e: {  	[hbm4b:s12+s2] =	stream.linear.scatter [tilespmem:s28], [sflag:$0x2], $0x1000, $0x38;
	[tilespmem:$0x16400] =	vst v63  }
0x4f: {  	s25 =	sadd.s32 $0x200, s12  }
0x50: {  	[hbm4b:s25+s2] =	stream.linear.scatter [tilespmem:s29], [sflag:$0x2], $0x1000, $0x38;
	[tilespmem:$0x16400] =	vst v63  }
0x51: {  	s26 =	sadd.s32 $0x400, s12  }
0x52: {  	[hbm4b:s26+s2] =	stream.linear.scatter [tilespmem:s30], [sflag:$0x2], $0x1000, $0x38;
	[tilespmem:$0x16400] =	vst v63  }
0x53: {  	p6 =	por $0x1, $0x1;
	s28 =	sadd.s32 $0x600, s12  }
0x54: {  	[hbm4b:s28+s2] =	stream.linear.scatter [tilespmem:s31], [sflag:$0x2], $0x1000, $0x38;
	[tilespmem:$0x16400] =	vst v63  }
0x55: {  	s11 =	simm.s32 $0x1000;
	p0 =	por p6, p6;
	s29 =	sadd.s32 $0x800, s12  }
0x56: {  	[hbm4b:s29+s2] =	stream.linear.scatter [tilespmem:s17], [sflag:$0x2], $0x1000, $0x38;
	[tilespmem:$0x16400] =	vst v63  }
0x57: {  	s13 =	simm.s32 $0x2000;
	s14 =	simm.s32 $0x2;
	s30 =	sadd.s32 $0xA00, s12  }
0x58: {  	[hbm4b:s30+s2] =	stream.linear.scatter [tilespmem:s18], [sflag:$0x2], $0x1000, $0x38;
	[tilespmem:$0x16400] =	vst v63  }
0x59: {  	s15 =	sadd.s32 $0xE00, s12;
	s31 =	sadd.s32 $0xC00, s12;
	s12 =	simm.s32 $0x8000  }
0x5a: {  	[hbm4b:s31+s2] =	stream.linear.scatter [tilespmem:s19], [sflag:$0x2], $0x1000, $0x38;
	[tilespmem:$0x16400] =	vst v63  }
.LBB2_2:
0x5b: {  	[hbm4b:s15+s2] =	stream.linear.scatter [tilespmem:s16], [sflag:$0x2], $0x1000, $0x38;
	[tilespmem:$0x16400] =	vst v63  }
0x5c: {  	s16 =	simm.s32 @!p0 $0x2  }
0x5d: {  	_ =	swait.ge @!p0 [sflag:s16], $0x1000  }
0x5e: {  	[sflag:s16] =	ssyncset.done @!p0 $0x0  }
0x5f: {  	[sflag:s16] =	ssyncadd.s32 @!p0 $0xFFFFF000  }
0x60: {  	_ =	swait.ge @!p0 [sflag:s16], $0x1000  }
0x61: {  	[sflag:s16] =	ssyncset.done @!p0 $0x0  }
0x62: {  	[sflag:s16] =	ssyncadd.s32 @!p0 $0xFFFFF000  }
0x63: {  	_ =	swait.ge @!p0 [sflag:s16], $0x1000  }
0x64: {  	[sflag:s16] =	ssyncset.done @!p0 $0x0  }
0x65: {  	[sflag:s16] =	ssyncadd.s32 @!p0 $0xFFFFF000  }
0x66: {  	_ =	swait.ge @!p0 [sflag:s16], $0x1000  }
0x67: {  	[sflag:s16] =	ssyncset.done @!p0 $0x0  }
0x68: {  	[sflag:s16] =	ssyncadd.s32 @!p0 $0xFFFFF000  }
0x69: {  	_ =	swait.ge @!p0 [sflag:s16], $0x1000  }
0x6a: {  	[sflag:s16] =	ssyncset.done @!p0 $0x0  }
0x6b: {  	[sflag:s16] =	ssyncadd.s32 @!p0 $0xFFFFF000  }
0x6c: {  	_ =	swait.ge @!p0 [sflag:s16], $0x1000  }
0x6d: {  	[sflag:s16] =	ssyncset.done @!p0 $0x0  }
0x6e: {  	[sflag:s16] =	ssyncadd.s32 @!p0 $0xFFFFF000  }
0x6f: {  	_ =	swait.ge @!p0 [sflag:s16], $0x1000  }
0x70: {  	[sflag:s16] =	ssyncset.done @!p0 $0x0  }
0x71: {  	[sflag:s16] =	ssyncadd.s32 @!p0 $0xFFFFF000  }
0x72: {  	_ =	swait.ge @!p0 [sflag:s16], $0x1000  }
0x73: {  	s24 =	sand.u32 $0x8000, s12;
	[sflag:s16] =	ssyncset.done @!p0 $0x0  }
0x74: {  	s25 =	sshra.s32 s11, $0x2;
	s17 =	sor.u32 $0x6400, s24;
	[sflag:s16] =	ssyncadd.s32 @!p0 $0xFFFFF000  }
0x75: {  	[tilespmem:s17], [sflag:$0x1] =	stream.indirect.gather [hbm4b:s3+s7], $0x20, s25, s7, $0xb8;
	[tilespmem:$0x16400] =	vst v63  }
0x76: {  	s18 =	sor.u32 $0x7400, s24;
	s21 =	sadd.s32 $0x80, s25  }
0x77: {  	[tilespmem:s18], [sflag:$0x1] =	stream.indirect.gather [hbm4b:s3+s7], $0x20, s21, s7, $0xb8;
	[tilespmem:$0x16400] =	vst v63  }
0x78: {  	s19 =	sadd.s32 $0x8400, s24;
	s22 =	sadd.s32 $0x100, s25  }
0x79: {  	[tilespmem:s19], [sflag:$0x1] =	stream.indirect.gather [hbm4b:s3+s7], $0x20, s22, s7, $0xb8;
	[tilespmem:$0x16400] =	vst v63  }
0x7a: {  	s20 =	sadd.s32 $0x9400, s24;
	s23 =	sadd.s32 $0x180, s25  }
0x7b: {  	[tilespmem:s20], [sflag:$0x1] =	stream.indirect.gather [hbm4b:s3+s7], $0x20, s23, s7, $0xb8;
	[tilespmem:$0x16400] =	vst v63  }
0x7c: {  	s26 =	sadd.s32 $0x200, s25;
	s21 =	sadd.s32 $0xA400, s24  }
0x7d: {  	[tilespmem:s21], [sflag:$0x1] =	stream.indirect.gather [hbm4b:s3+s7], $0x20, s26, s7, $0xb8;
	[tilespmem:$0x16400] =	vst v63  }
0x7e: {  	s28 =	sadd.s32 $0x280, s25;
	s22 =	sadd.s32 $0xB400, s24  }
0x7f: {  	[tilespmem:s22], [sflag:$0x1] =	stream.indirect.gather [hbm4b:s3+s7], $0x20, s28, s7, $0xb8;
	[tilespmem:$0x16400] =	vst v63  }
0x80: {  	s29 =	sadd.s32 $0x300, s25;
	s23 =	sadd.s32 $0xC400, s24  }
0x81: {  	[tilespmem:s23], [sflag:$0x1] =	stream.indirect.gather [hbm4b:s3+s7], $0x20, s29, s7, $0xb8;
	[tilespmem:$0x16400] =	vst v63  }
0x82: {  	s30 =	sadd.s32 $0x380, s25;
	s16 =	sadd.s32 $0xD400, s24  }
0x83: {  	[tilespmem:s16], [sflag:$0x1] =	stream.indirect.gather [hbm4b:s3+s7], $0x20, s30, s7, $0xb8;
	[tilespmem:$0x16400] =	vst v63  }
0x84: {  	_ =	swait.ge [sflag:s8], $0x1000  }
0x85: {  	[sflag:s8] =	ssyncset.done $0x0  }
0x86: {  	[sflag:s8] =	ssyncadd.s32 $0xFFFFF000  }
0x87: {  	_ =	swait.ge [sflag:s8], $0x1000  }
0x88: {  	[sflag:s8] =	ssyncset.done $0x0  }
0x89: {  	[sflag:s8] =	ssyncadd.s32 $0xFFFFF000  }
0x8a: {  	_ =	swait.ge [sflag:s8], $0x1000  }
0x8b: {  	[sflag:s8] =	ssyncset.done $0x0  }
0x8c: {  	[sflag:s8] =	ssyncadd.s32 $0xFFFFF000  }
0x8d: {  	_ =	swait.ge [sflag:s8], $0x1000  }
0x8e: {  	[sflag:s8] =	ssyncset.done $0x0  }
0x8f: {  	[sflag:s8] =	ssyncadd.s32 $0xFFFFF000  }
0x90: {  	_ =	swait.ge [sflag:s8], $0x1000  }
0x91: {  	[sflag:s8] =	ssyncset.done $0x0  }
0x92: {  	[sflag:s8] =	ssyncadd.s32 $0xFFFFF000  }
0x93: {  	_ =	swait.ge [sflag:s8], $0x1000  }
0x94: {  	[sflag:s8] =	ssyncset.done $0x0  }
0x95: {  	[sflag:s8] =	ssyncadd.s32 $0xFFFFF000  }
0x96: {  	_ =	swait.ge [sflag:s8], $0x1000  }
0x97: {  	[sflag:s8] =	ssyncset.done $0x0  }
0x98: {  	[sflag:s8] =	ssyncadd.s32 $0xFFFFF000  }
0x99: {  	_ =	swait.ge [sflag:s8], $0x1000  }
0x9a: {  	s31 =	rddreg [dreg:$0x3];
	[sflag:s8] =	ssyncset.done $0x0  }
0x9b: {  	[sflag:s8] =	ssyncadd.s32 $0xFFFFF000;
	s24 =	sadd.s32 s11, s31  }
0x9c: {  	[hbm4b:s24+s2] =	stream.linear.scatter [tilespmem:s17], [sflag:$0x2], $0x1000, $0x38;
	[tilespmem:$0x16400] =	vst v63  }
0x9d: {  	s25 =	sadd.s32 $0x200, s24  }
0x9e: {  	[hbm4b:s25+s2] =	stream.linear.scatter [tilespmem:s18], [sflag:$0x2], $0x1000, $0x38;
	[tilespmem:$0x16400] =	vst v63  }
0x9f: {  	s26 =	sadd.s32 $0x400, s24  }
0xa0: {  	[hbm4b:s26+s2] =	stream.linear.scatter [tilespmem:s19], [sflag:$0x2], $0x1000, $0x38;
	[tilespmem:$0x16400] =	vst v63  }
0xa1: {  	s15 =	smov.u32 s13;
	s13 =	sadd.s32 $0x1000, s13;
	s28 =	sadd.s32 $0x600, s24  }
0xa2: {  	[hbm4b:s28+s2] =	stream.linear.scatter [tilespmem:s20], [sflag:$0x2], $0x1000, $0x38;
	[tilespmem:$0x16400] =	vst v63  }
0xa3: {  	p1 =	sne.s32 s13, $0x19000;
	s29 =	sadd.s32 $0x800, s24  }
0xa4: {  	[hbm4b:s29+s2] =	stream.linear.scatter [tilespmem:s21], [sflag:$0x2], $0x1000, $0x38;
	[tilespmem:$0x16400] =	vst v63  }
.Ltmp0:
0xa5: {  	p2 =	slt.u32 s14, $0x2;
	s14 =	sadd.s32 $0x1, s14;
	(pc) =	sbr.rel @p1 .LBB2_2-.Ltmp0, $4  }
0xa6: {  	s12 =	sadd.s32 $0x8000, s12;
	p0 =	por p2, p2;
	s30 =	sadd.s32 $0xA00, s24  }
0xa7: {  	[hbm4b:s30+s2] =	stream.linear.scatter [tilespmem:s22], [sflag:$0x2], $0x1000, $0x38;
	[tilespmem:$0x16400] =	vst v63  }
0xa8: {  	s11 =	smov.u32 s15;
	s31 =	sadd.s32 $0xC00, s24;
	s15 =	sadd.s32 $0xE00, s24  }
0xa9: {  	[hbm4b:s31+s2] =	stream.linear.scatter [tilespmem:s23], [sflag:$0x2], $0x1000, $0x38;
	[tilespmem:$0x16400] =	vst v63  }
0xaa: {  	[hbm4b:s15+s2] =	stream.linear.scatter [tilespmem:s16], [sflag:$0x2], $0x1000, $0x38;
	[tilespmem:$0x16400] =	vst v63  }
0xab: {  	s13 =	simm.s32 @!p0 $0x2  }
0xac: {  	_ =	swait.ge @!p0 [sflag:s13], $0x1000  }
0xad: {  	[sflag:s13] =	ssyncset.done @!p0 $0x0  }
0xae: {  	[sflag:s13] =	ssyncadd.s32 @!p0 $0xFFFFF000  }
0xaf: {  	_ =	swait.ge @!p0 [sflag:s13], $0x1000  }
0xb0: {  	[sflag:s13] =	ssyncset.done @!p0 $0x0  }
0xb1: {  	[sflag:s13] =	ssyncadd.s32 @!p0 $0xFFFFF000  }
0xb2: {  	_ =	swait.ge @!p0 [sflag:s13], $0x1000  }
0xb3: {  	[sflag:s13] =	ssyncset.done @!p0 $0x0  }
0xb4: {  	[sflag:s13] =	ssyncadd.s32 @!p0 $0xFFFFF000  }
0xb5: {  	_ =	swait.ge @!p0 [sflag:s13], $0x1000  }
0xb6: {  	[sflag:s13] =	ssyncset.done @!p0 $0x0  }
0xb7: {  	[sflag:s13] =	ssyncadd.s32 @!p0 $0xFFFFF000  }
0xb8: {  	_ =	swait.ge @!p0 [sflag:s13], $0x1000  }
0xb9: {  	[sflag:s13] =	ssyncset.done @!p0 $0x0  }
0xba: {  	[sflag:s13] =	ssyncadd.s32 @!p0 $0xFFFFF000  }
0xbb: {  	_ =	swait.ge @!p0 [sflag:s13], $0x1000  }
0xbc: {  	[sflag:s13] =	ssyncset.done @!p0 $0x0  }
0xbd: {  	[sflag:s13] =	ssyncadd.s32 @!p0 $0xFFFFF000  }
0xbe: {  	_ =	swait.ge @!p0 [sflag:s13], $0x1000  }
0xbf: {  	[sflag:s13] =	ssyncset.done @!p0 $0x0  }
0xc0: {  	[sflag:s13] =	ssyncadd.s32 @!p0 $0xFFFFF000  }
0xc1: {  	_ =	swait.ge @!p0 [sflag:s13], $0x1000  }
0xc2: {  	s12 =	sand.u32 $0x8000, s12;
	[sflag:s13] =	ssyncset.done @!p0 $0x0  }
0xc3: {  	s14 =	sshra.s32 s11, $0x2;
	s25 =	sor.u32 $0x6400, s12;
	[sflag:s13] =	ssyncadd.s32 @!p0 $0xFFFFF000  }
0xc4: {  	[tilespmem:s25], [sflag:$0x1] =	stream.indirect.gather [hbm4b:s3+s7], $0x20, s14, s7, $0xb8;
	[tilespmem:$0x16400] =	vst v63  }
0xc5: {  	s15 =	sor.u32 $0x7400, s12;
	s26 =	sadd.s32 $0x80, s14  }
0xc6: {  	[tilespmem:s15], [sflag:$0x1] =	stream.indirect.gather [hbm4b:s3+s7], $0x20, s26, s7, $0xb8;
	[tilespmem:$0x16400] =	vst v63  }
0xc7: {  	s28 =	sadd.s32 $0x8400, s12;
	s17 =	sadd.s32 $0x100, s14  }
0xc8: {  	[tilespmem:s28], [sflag:$0x1] =	stream.indirect.gather [hbm4b:s3+s7], $0x20, s17, s7, $0xb8;
	[tilespmem:$0x16400] =	vst v63  }
0xc9: {  	s29 =	sadd.s32 $0x9400, s12;
	s18 =	sadd.s32 $0x180, s14  }
0xca: {  	[tilespmem:s29], [sflag:$0x1] =	stream.indirect.gather [hbm4b:s3+s7], $0x20, s18, s7, $0xb8;
	[tilespmem:$0x16400] =	vst v63  }
0xcb: {  	s30 =	sadd.s32 $0xA400, s12;
	s19 =	sadd.s32 $0x200, s14  }
0xcc: {  	[tilespmem:s30], [sflag:$0x1] =	stream.indirect.gather [hbm4b:s3+s7], $0x20, s19, s7, $0xb8;
	[tilespmem:$0x16400] =	vst v63  }
0xcd: {  	s31 =	sadd.s32 $0xB400, s12;
	s20 =	sadd.s32 $0x280, s14  }
0xce: {  	[tilespmem:s31], [sflag:$0x1] =	stream.indirect.gather [hbm4b:s3+s7], $0x20, s20, s7, $0xb8;
	[tilespmem:$0x16400] =	vst v63  }
0xcf: {  	s22 =	sadd.s32 $0xC400, s12;
	s21 =	sadd.s32 $0x300, s14  }
0xd0: {  	[tilespmem:s22], [sflag:$0x1] =	stream.indirect.gather [hbm4b:s3+s7], $0x20, s21, s7, $0xb8;
	[tilespmem:$0x16400] =	vst v63  }
0xd1: {  	s12 =	sadd.s32 $0xD400, s12;
	s14 =	sadd.s32 $0x380, s14  }
0xd2: {  	[tilespmem:s12], [sflag:$0x1] =	stream.indirect.gather [hbm4b:s3+s7], $0x20, s14, s7, $0xb8;
	[tilespmem:$0x16400] =	vst v63  }
0xd3: {  	_ =	swait.ge [sflag:s8], $0x1000  }
0xd4: {  	[sflag:s8] =	ssyncset.done $0x0  }
0xd5: {  	[sflag:s8] =	ssyncadd.s32 $0xFFFFF000  }
0xd6: {  	_ =	swait.ge [sflag:s8], $0x1000  }
0xd7: {  	[sflag:s8] =	ssyncset.done $0x0  }
0xd8: {  	[sflag:s8] =	ssyncadd.s32 $0xFFFFF000  }
0xd9: {  	_ =	swait.ge [sflag:s8], $0x1000  }
0xda: {  	[sflag:s8] =	ssyncset.done $0x0  }
0xdb: {  	[sflag:s8] =	ssyncadd.s32 $0xFFFFF000  }
0xdc: {  	_ =	swait.ge [sflag:s8], $0x1000  }
0xdd: {  	[sflag:s8] =	ssyncset.done $0x0  }
0xde: {  	[sflag:s8] =	ssyncadd.s32 $0xFFFFF000  }
0xdf: {  	_ =	swait.ge [sflag:s8], $0x1000  }
0xe0: {  	[sflag:s8] =	ssyncset.done $0x0  }
0xe1: {  	[sflag:s8] =	ssyncadd.s32 $0xFFFFF000  }
0xe2: {  	_ =	swait.ge [sflag:s8], $0x1000  }
0xe3: {  	[sflag:s8] =	ssyncset.done $0x0  }
0xe4: {  	[sflag:s8] =	ssyncadd.s32 $0xFFFFF000  }
0xe5: {  	_ =	swait.ge [sflag:s8], $0x1000  }
0xe6: {  	[sflag:s8] =	ssyncset.done $0x0  }
0xe7: {  	[sflag:s8] =	ssyncadd.s32 $0xFFFFF000  }
0xe8: {  	_ =	swait.ge [sflag:s8], $0x1000  }
0xe9: {  	s23 =	rddreg [dreg:$0x3];
	[sflag:s8] =	ssyncset.done $0x0  }
0xea: {  	[sflag:s8] =	ssyncadd.s32 $0xFFFFF000;
	s24 =	sadd.s32 s11, s23  }
0xeb: {  	[hbm4b:s24+s2] =	stream.linear.scatter [tilespmem:s25], [sflag:$0x2], $0x1000, $0x38;
	[tilespmem:$0x16400] =	vst v63  }
0xec: {  	s25 =	sadd.s32 $0x200, s24  }
0xed: {  	[hbm4b:s25+s2] =	stream.linear.scatter [tilespmem:s15], [sflag:$0x2], $0x1000, $0x38;
	[tilespmem:$0x16400] =	vst v63  }
0xee: {  	s26 =	sadd.s32 $0x400, s24  }
0xef: {  	[hbm4b:s26+s2] =	stream.linear.scatter [tilespmem:s28], [sflag:$0x2], $0x1000, $0x38;
	[tilespmem:$0x16400] =	vst v63  }
0xf0: {  	s28 =	sadd.s32 $0x600, s24  }
0xf1: {  	[hbm4b:s28+s2] =	stream.linear.scatter [tilespmem:s29], [sflag:$0x2], $0x1000, $0x38;
	[tilespmem:$0x16400] =	vst v63  }
0xf2: {  	s29 =	sadd.s32 $0x800, s24  }
0xf3: {  	[hbm4b:s29+s2] =	stream.linear.scatter [tilespmem:s30], [sflag:$0x2], $0x1000, $0x38;
	[tilespmem:$0x16400] =	vst v63  }
0xf4: {  	s30 =	sadd.s32 $0xA00, s24  }
0xf5: {  	[hbm4b:s30+s2] =	stream.linear.scatter [tilespmem:s31], [sflag:$0x2], $0x1000, $0x38;
	[tilespmem:$0x16400] =	vst v63  }
0xf6: {  	s31 =	sadd.s32 $0xC00, s24  }
0xf7: {  	[hbm4b:s31+s2] =	stream.linear.scatter [tilespmem:s22], [sflag:$0x2], $0x1000, $0x38;
	[tilespmem:$0x16400] =	vst v63  }
0xf8: {  	s11 =	sadd.s32 $0xE00, s24  }
0xf9: {  	[hbm4b:s11+s2] =	stream.linear.scatter [tilespmem:s12], [sflag:$0x2], $0x1000, $0x38;
	[tilespmem:$0x16400] =	vst v63  }
0xfa: {  	_ =	swait.ge [sflag:s9], $0x1000  }
0xfb: {  	[sflag:s9] =	ssyncset.done $0x0  }
0xfc: {  	[sflag:s9] =	ssyncadd.s32 $0xFFFFF000  }
0xfd: {  	_ =	swait.ge [sflag:s9], $0x1000  }
0xfe: {  	[sflag:s9] =	ssyncset.done $0x0  }
0xff: {  	[sflag:s9] =	ssyncadd.s32 $0xFFFFF000  }
0x100: {  	_ =	swait.ge [sflag:s9], $0x1000  }
0x101: {  	[sflag:s9] =	ssyncset.done $0x0  }
0x102: {  	[sflag:s9] =	ssyncadd.s32 $0xFFFFF000  }
0x103: {  	_ =	swait.ge [sflag:s9], $0x1000  }
0x104: {  	[sflag:s9] =	ssyncset.done $0x0  }
0x105: {  	[sflag:s9] =	ssyncadd.s32 $0xFFFFF000  }
0x106: {  	_ =	swait.ge [sflag:s9], $0x1000  }
0x107: {  	[sflag:s9] =	ssyncset.done $0x0  }
0x108: {  	[sflag:s9] =	ssyncadd.s32 $0xFFFFF000  }
0x109: {  	_ =	swait.ge [sflag:s9], $0x1000  }
0x10a: {  	[sflag:s9] =	ssyncset.done $0x0  }
0x10b: {  	[sflag:s9] =	ssyncadd.s32 $0xFFFFF000  }
0x10c: {  	_ =	swait.ge [sflag:s9], $0x1000  }
0x10d: {  	[sflag:s9] =	ssyncset.done $0x0  }
0x10e: {  	[sflag:s9] =	ssyncadd.s32 $0xFFFFF000  }
0x10f: {  	_ =	swait.ge [sflag:s9], $0x1000  }
0x110: {  	[sflag:s9] =	ssyncset.done $0x0  }
0x111: {  	[sflag:s9] =	ssyncadd.s32 $0xFFFFF000  }
0x112: {  	_ =	swait.ge [sflag:s9], $0x1000  }
0x113: {  	[sflag:s9] =	ssyncset.done $0x0  }
0x114: {  	[sflag:s9] =	ssyncadd.s32 $0xFFFFF000  }
0x115: {  	_ =	swait.ge [sflag:s9], $0x1000  }
0x116: {  	[sflag:s9] =	ssyncset.done $0x0  }
0x117: {  	[sflag:s9] =	ssyncadd.s32 $0xFFFFF000  }
0x118: {  	_ =	swait.ge [sflag:s9], $0x1000  }
0x119: {  	[sflag:s9] =	ssyncset.done $0x0  }
0x11a: {  	[sflag:s9] =	ssyncadd.s32 $0xFFFFF000  }
0x11b: {  	_ =	swait.ge [sflag:s9], $0x1000  }
0x11c: {  	[sflag:s9] =	ssyncset.done $0x0  }
0x11d: {  	[sflag:s9] =	ssyncadd.s32 $0xFFFFF000  }
0x11e: {  	_ =	swait.ge [sflag:s9], $0x1000  }
0x11f: {  	[sflag:s9] =	ssyncset.done $0x0  }
0x120: {  	[sflag:s9] =	ssyncadd.s32 $0xFFFFF000  }
0x121: {  	_ =	swait.ge [sflag:s9], $0x1000  }
0x122: {  	[sflag:s9] =	ssyncset.done $0x0  }
0x123: {  	s10 =	sadd.s32 $0x1, s10;
	[sflag:s9] =	ssyncadd.s32 $0xFFFFF000  }
0x124: {  	p0 =	sne.s32 s10, s5;
	_ =	swait.ge [sflag:s9], $0x1000  }
.Ltmp1:
0x125: {  	[sflag:s9] =	ssyncset.done $0x0;
	(pc) =	sbr.rel @p0 .LBB2_1-.Ltmp1, $4  }
0x126: {  	[sflag:s9] =	ssyncadd.s32 $0xFFFFF000  }
0x127: {  	_ =	swait.ge [sflag:s9], $0x1000  }
0x128: {  	[sflag:s9] =	ssyncset.done $0x0  }
0x129: {  	[sflag:s9] =	ssyncadd.s32 $0xFFFFF000  }
0x12a: {  	_ =	sfence.sel $0x180000  }
0x12b: {  	[bflag:$0x0] =	sbarrier.arrive $0xFFFF  }
0x12c: {  	p0 =	sne.s32 s0, $0x0;
	_ =	strace $0x90000047  }
0x12d: {  	s0 =	sadd.s32 @!p0 $0x100000, s1;
	[bflag:$0x2] =	sbarrier.arrive $0xFFFF  }
0x12e: {  	[sflag:s0] =	ssyncadd.tile.s32 @!p0 $0x1;
	_ =	shalt  }
.Lfunc_end2:
_tile_overlayer_lowered:
.L_overlay_start_2:
0x12f: {  	(tag) =	ssettag $0x2  }
0x130: {  	s0 =	rddreg [dreg:$0x0];
	s2 =	stileid.u32  }
0x131: {  	s1 =	rddreg [dreg:$0x1];
	p0 =	sne.s32 s2, $0x0  }
0x132: {  	s3 =	rddreg [dreg:$0x2];
	[bflag:$0x3] =	sbarrier.arrive $0xFFFF;
	s2 =	simm.s32 @!p0 $0x1C03  }
0x133: {  	[timem:s3], [sflag:s2] =	dma.local @!p0 [hbm:s0], s1  }
0x134: {  	s0 =	simm.s32 @!p0 $0x3  }
0x135: {  	_ =	swait.ge @!p0 [sflag:s0], s1  }
0x136: {  	s1 =	ssub.s32 @!p0 $0x0, s1;
	[sflag:s0] =	ssyncset.done @!p0 $0x0  }
0x137: {  	[sflag:s0] =	ssyncadd.s32 @!p0 s1  }
0x138: {  	[bflag:$0x3] =	sbarrier.arrive $0xFFFF  }
0x139: {  	_ =	shalt  }

// kernel: sparse-core-data-format-call.cloned.1.call-start
scs
called_computation_lowered:
.L_overlay_start_0:
0x0: {  	s2 =	sld [smem:$0x3FD9]  }
0x1: {  	s3 =	sld [smem:$0x3FFE];
	_ =	sdelay $0x1  }
0x2: {  	s1 =	srdreg.scid  }
0x3: {  	s0 =	sand.u32 $0x1, s1  }
0x4: {  	s18 =	sshll.u32 s0, $0xA;
	s2 =	sadd.s32 s3, s2  }
0x5: {  	s2 =	sadd.s32 s2, s18  }
0x6: {  	[smem:$0x3FC6] =	sst s2  }
0x7: {  	_ = 	snop  }
0x8: {  	s2 =	sld [smem:$0x3FD0];
	(tm) =	ssettm $0x1  }
0x9: {  	s19 =	sld [smem:$0x3FFB];
	_ =	sdelay $0x3  }
0xa: {  	_ =	strace s19  }
0xb: {  	s3 =	sld [smem:$0x3FFC];
	_ =	sdelay $0x3  }
0xc: {  	_ =	strace s3  }
0xd: {  	s3 =	sld [smem:$0x3FFD];
	_ =	sdelay $0x3  }
0xe: {  	_ =	strace s3  }
0xf: {  	_ =	strace $0x8FFFFFFF  }
0x10: {  	s20 =	sld [smem:$0x3FDB];
	_ =	sdelay $0x1  }
0x11: {  	s4 =	simm.s32 $_scs_section_size  }
0x12: {  	s5 =	simm.s32 $_size__tile_overlayer_lowered;
	s6 =	simm.s32 $_tile_overlayer_lowered  }
0x13: {  	s23 =	simm.s32 $0x1BFF;
	s22 =	sshll.u32 s6, $0x1;
	s3 =	sadd.s32 s4, s20  }
0x14: {  	s7 =	simm.s32 $0x0;
	s21 =	sshll.u32 s5, $0x1;
	s5 =	sadd.s32 s22, s3  }
0x15: {  	[timem:s7], [sflag:s23] =	dma.local [hbm:s5], s21  }
0x16: {  	_ =	swait.ge [sflag:s23], s21  }
0x17: {  	s4 =	ssub.s32 $0x0, s21;
	[sflag:s23] =	ssyncset.done $0x0  }
0x18: {  	[sflag:s23] =	ssyncadd.s32 s4;
	_ =	sdelay $0x1  }
0x19: {  	s24 =	simm.s32 $0x1B8B  }
0x1a: {  	_ =	swait.ge [sflag:s24], $0x1  }
0x1b: {  	[sflag:s24] =	ssyncset.done $0x0  }
0x1c: {  	s26 =	simm.s32 $0x1B8E;
	s25 =	sld [smem:$0x3FFE];
	[sflag:s24] =	ssyncadd.s32 $0xFFFFFFFF  }
0x1d: {  	s27 =	simm.s32 $execute0_lowered;
	[smem:$0x3FD2] =	sst s26  }
0x1e: {  	s5 =	sshll.u32 s27, $0x1;
	_ =	strace $0x80000049;
	[dreg:$0x1] =	wrdreg $0xFFFFFFFF  }
0x1f: {  	s28 =	simm.s32 $_size_execute0_lowered;
	s3 =	sadd.s32 s3, s5;
	[dreg:$0x0] =	wrdreg $0x0  }
0x20: {  	s5 =	sshll.u32 s28, $0x1;
	[dreg:$0x2] =	wrdreg s3  }
0x21: {  	[dreg:$0x3] =	wrdreg s5  }
0x22: {  	[dreg:$0x4] =	wrdreg $0xC0  }
0x23: {  	_ =	task [dreg:s7], $0x5FFFF  }
0x24: {  	[dreg:$0x1] =	wrdreg $0xFFFFFFFF  }
0x25: {  	[dreg:$0x0] =	wrdreg $0x60  }
0x26: {  	[dreg:$0x2] =	wrdreg s25  }
0x27: {  	[dreg:$0x3] =	wrdreg s2  }
0x28: {  	[dreg:$0x4] =	wrdreg $0x9  }
0x29: {  	_ =	task.clear_ibuf [dreg:s7], $0x5FFFF;
	_ =	strace $0x90000049  }
0x2a: {  	s29 =	simm.s32 $0x9;
	_ =	strace $0x8000004B  }
0x2b: {  	_ =	swait.ge [sflag:s29], $0x1  }
0x2c: {  	[sflag:s29] =	ssyncadd.s32 $0xFFFFFFFF  }
0x2d: {  	_ =	strace $0x9000004B  }
0x2e: {  	_ =	sfence  }
0x2f: {  	s30 =	sld [smem:$0x0];
	_ =	sdelay $0x2  }
0x30: {  	s31 =	sshll.u32 s1, $0xD;
	s1 =	sshrl.u32 s1, $0x2  }
0x31: {  	s3 =	sand.u32 $0x4000, s31;
	s1 =	sadd.s32 s1, s30  }
0x32: {  	s0 =	sor.u32 s3, s0;
	s1 =	sshll.u32 s1, $0x11  }
0x33: {  	s0 =	sor.u32 s1, s0  }
0x34: {  	s0 =	sadd.s32 $0x8F2B, s0  }
0x35: {  	[sflag:s0] =	ssyncadd.remote.s32 $0x1  }
0x36: {  	_ =	sfence.sel $0xFFFF  }
0x37: {  	[dreg:$0x0] =	wrdreg $0xFFFFFFFF;
	(pc) =	sbr.abs _section_cstart, $3  }
0x38: {  	[dreg:$0x1] =	wrdreg $0xFFFFFFFF  }
0x39: {  	_ =	task.clear_ibuf [dreg:s7], $0x2FFFF;
	_ =	strace $0x9FFFFFFF  }
0x3a: {  	(tm) =	ssettm $0x7FFFFFFF  }
0x3b: {  	_ =	shalt  }
tec
execute0_lowered:
.L_overlay_start_1:
0x0: {  	(tag) =	ssettag $0x1  }
0x1: {  	s0 =	srdreg.scid  }
0x2: {  	s1 =	sshll.u32 s0, $0x4  }
0x3: {  	s0 =	stileid.u32;
	s1 =	sand.u32 $0x10, s1  }
0x4: {  	s1 =	sor.u32 s0, s1  }
0x5: {  	s6 =	rddreg [dreg:$0x0];
	s4 =	simm.s32 $0x1;
	s2 =	sshll.u32 s1, $0x7  }
0x6: {  	s7 =	simm.s32 $0x2;
	s12 =	simm.s32 $0x0;
	s1 =	ssub.s32 $0x1000, s2  }
0x7: {  	s8 =	simm.s32 $0x8000;
	s13 =	simm.s32 $0x0;
	s3 =	sand.u32 $0xF80, s1  }
0x8: {  	s9 =	simm.s32 $0x0;
	s5 =	sshrl.u32 s1, $0xC;
	p0 =	sne.s32 s3, $0x0  }
.Ltmp0:
0x9: {  	s1 =	rddreg [dreg:$0x2];
	s4 =	simm.s32 @!p0 $0x0;
	(pc) =	sbr.rel .LBB1_1-.Ltmp0, $4  }
0xa: {  	s11 =	simm.s32 $0x0;
	s3 =	rddreg [dreg:$0x1];
	s5 =	sadd.s32 s4, s5  }
0xb: {  	_ =	strace $0x8000004A;
	s4 =	simm.s32 $0x1;
	s5 =	smul.u32 $0xC8, s5  }
0xc: {  	s6 =	sadd.s32 $0xA00, s6;
	s10 =	smov.u32 s2;
	[sflag:s4] =	ssyncpa.u1 $0x0  }
0xd: {  	p0 =	por $0x0, $0x0;
	[sflag:s7] =	ssyncpa.u1 $0x0;
	s7 =	sor.u32 $0x1, s5  }
.LBB1_4:
0xe: {  	s16 =	sshll.u32 s13, $0x3;
	s17 =	sand.u32 $0x78, s13  }
0xf: {  	s30 =	sand.u32 $0x3E00, s13;
	s12 =	sshll.u32 s12, $0xE;
	s16 =	sand.u32 $0xC00, s16  }
0x10: {  	s31 =	sand.u32 $0x7, s13;
	s16 =	sor.u32 s17, s16;
	s17 =	sadd.s32 s3, s30  }
0x11: {  	s13 =	sshll.u32 s31, $0x12;
	s16 =	sshrl.u32 s16, $0x3;
	s12 =	sadd.s32 s12, s17  }
0x12: {  	[tilespmem:s15+$0x0 ss:$0x81] =	vst.msk $0xffff, v0;
	s13 =	sor.u32 $0x400, s13;
	s12 =	sadd.s32 s16, s12  }
0x13: {  	[hbm4b:s12+s13] =	stream.strided.scatter [tilespmem:s14], [sflag:$0x2], $0x1000, s8, s13, $0x20;
	[tilespmem:$0x4040] =	vst v63  }
.LBB1_5:
0x14: {  	s14 =	sadd.s32 $0x1, s9  }
0x15: {  	s12 =	sadd.s32 $0x1000, s10;
	s16 =	smov.u32 s10;
	p2 =	sgt.s32 s14, $0xC7  }
0x16: {  	s16 =	smov.u32 @p2 s12  }
0x17: {  	s14 =	simm.s32 @p2 $0x0;
	p2 =	sgt.s32 s16, $0xFFF  }
0x18: {  	s16 =	smov.u32 @p2 s2;
	p2 =	sne.s32 s11, s7  }
.Ltmp1:
0x19: {  	p1 =	slt.u32 s11, $0x2;
	(pc) =	sbr.rel @!p2 .LBB1_6-.Ltmp1, $4  }
0x1a: {  	s15 =	simm.s32 @!p1 $0x2  }
0x1b: {  	s13 =	smov.u32 s10;
	p0 =	por !p0, !p0;
	_ =	swait.ge @!p1 [sflag:s15], $0x1000  }
0x1c: {  	s12 =	smov.u32 s9;
	[sflag:s15] =	ssyncset.done @!p1 $0x0;
	s9 =	smov.u32 s14  }
0x1d: {  	s11 =	sadd.s32 $0x1, s11;
	[sflag:s15] =	ssyncadd.s32 @!p1 $0xFFFFF000;
	s10 =	smov.u32 s16  }
.LBB1_1:
0x1e: {  	p1 =	sge.u32 s11, s5  }
0x1f: {  	s14 =	sand.u32 @!p1 $0x1FFFFFF, s9  }
0x20: {  	s15 =	smulhi.u32 @!p1 $0x147AE15, s14;
	_ =	sdelay $0x1  }
0x21: {  	s15 =	smul.u32 @!p1 $0xC8, s15  }
0x22: {  	s16 =	sxor.u32 @!p1 $0xFFFFFFFF, s11;
	s17 =	smul.u32 @!p1 $0xC80, s10  }
0x23: {  	s31 =	sadd.s32 $0xFFFFFFFF, s11;
	s16 =	sshll.u32 @!p1 s16, $0xC;
	s14 =	ssub.s32 @!p1 s14, s15  }
0x24: {  	s15 =	sand.u32 @!p1 $0x1000, s16;
	s16 =	sadd.s32 @!p1 s6, s17;
	s14 =	sshll.u32 @!p1 s14, $0x4  }
0x25: {  	s17 =	simm.s32 @!p1 $0x6400;
	s14 =	sadd.s32 @!p1 s14, s16;
	s16 =	simm.s32 @!p1 $0x20  }
0x26: {  	[tilespmem:s15], [sflag:$0x1] =	stream.strided.gather @!p1 [hbm4b:s14+s16], $0x1000, s17, s16, $0x38;
	[tilespmem:$0x4040] =	vst v63  }
0x27: {  	p1 =	sge.u32 s31, s5  }
.Ltmp2:
0x28: {  	_ = 	snop;
	(pc) =	sbr.rel @p1 .LBB1_5-.Ltmp2, $1  }
0x29: {  	_ =	sdelay $0x3  }
0x2a: {  	s14 =	simm.s32 $0x1  }
0x2b: {  	_ =	swait.ge [sflag:s4], $0x1000;
	s14 =	simm.s32 @!p0 $0x0  }
0x2c: {  	[sflag:s4] =	ssyncset.done $0x0;
	s15 =	sshll.u32 s14, $0xC  }
0x2d: {  	[sflag:s4] =	ssyncadd.s32 $0xFFFFF000;
	s18 =	sor.u32 $0x10, s15  }
0x2e: {  	s14 =	smul.u32 $0x4080, s14;
	v1 =	vld [tilespmem:s18+$0x0]  }
0x2f: {  	s30 =	sand.u32 $0x1, s11;
	v0 =	vld [tilespmem:s18+$0xFFFFFFF0]  }
0x30: {  	s15 =	smul.u32 $0x4080, s30;
	s14 =	sshrl.u32 s14, $0x2  }
0x31: {  	s16 =	sor.u32 $0x2000, s14  }
0x32: {  	s31 =	sshrl.u32 s15, $0x2;
	s15 =	sadd.s32 $0x0, s16  }
0x33: {  	s17 =	simm.s32 $0x4;
	s18 =	sadd.s32 $0x20, s18;
	s14 =	sor.u32 $0x2000, s31;
	[tilespmem:s15+$0x810 ss:$0x81] =	vst.msk $0xffff, v1  }
.LBB1_3:
0x34: {  	v1 =	vld [tilespmem:s18+$0x0];
	p1 =	sne.s32 s17, $0x1FC;
	[tilespmem:s15+$0x0 ss:$0x81] =	vst.msk $0xffff, v0;
	s15 =	smov.u32 s17;
	s17 =	sadd.s32 $0x4, s17  }
.Ltmp3:
0x35: {  	v0 =	vld [tilespmem:s18+$0xFFFFFFF0];
	(pc) =	sbr.rel @p1 .LBB1_3-.Ltmp3, $4  }
0x36: {  	_ = 	snop  }
0x37: {  	s15 =	sshra.s32 s15, $0x2  }
0x38: {  	s15 =	sadd.s32 s15, s16  }
0x39: {  	s18 =	sadd.s32 $0x20, s18;
	[tilespmem:s15+$0x810 ss:$0x81] =	vst.msk $0xffff, v1  }
.Ltmp4:
0x3a: {  	_ = 	snop;
	(pc) =	sbr.rel .LBB1_4-.Ltmp4, $1  }
0x3b: {  	_ =	sdelay $0x3  }
.LBB1_6:
0x3c: {  	_ =	sfence.sel $0x180000  }
0x3d: {  	s2 =	simm.s32 $0x1;
	[bflag:$0x0] =	sbarrier.arrive $0xFFFF  }
0x3e: {  	s31 =	simm.s32 $0x2;
	[sflag:s2] =	ssyncpa.u1 $0x1  }
0x3f: {  	[sflag:s31] =	ssyncpa.u1 $0x1  }
0x40: {  	p0 =	sne.s32 s0, $0x0;
	_ =	strace $0x9000004A  }
0x41: {  	s0 =	sadd.s32 @!p0 $0x100000, s1;
	[bflag:$0x2] =	sbarrier.arrive $0xFFFF  }
0x42: {  	[sflag:s0] =	ssyncadd.tile.s32 @!p0 $0x1;
	_ =	shalt  }
.Lfunc_end1:
_tile_overlayer_lowered:
.L_overlay_start_2:
0x43: {  	(tag) =	ssettag $0x2  }
0x44: {  	s0 =	rddreg [dreg:$0x0];
	s2 =	stileid.u32  }
0x45: {  	s1 =	rddreg [dreg:$0x1];
	p0 =	sne.s32 s2, $0x0  }
0x46: {  	s3 =	rddreg [dreg:$0x2];
	[bflag:$0x3] =	sbarrier.arrive $0xFFFF;
	s2 =	simm.s32 @!p0 $0x1C01  }
0x47: {  	[timem:s3], [sflag:s2] =	dma.local @!p0 [hbm:s0], s1  }
0x48: {  	s0 =	simm.s32 @!p0 $0x1  }
0x49: {  	_ =	swait.ge @!p0 [sflag:s0], s1  }
0x4a: {  	s1 =	ssub.s32 @!p0 $0x0, s1;
	[sflag:s0] =	ssyncset.done @!p0 $0x0  }
0x4b: {  	[sflag:s0] =	ssyncadd.s32 @!p0 s1  }
0x4c: {  	[bflag:$0x3] =	sbarrier.arrive $0xFFFF  }
0x4d: {  	_ =	shalt  }

</sc_bundles>
